<compile_context>
chip_gen: v7x
topology: tpu7x:2x2x1
jax: 0.10.2.dev20260603
libtpu: 0.0.44.dev20260713+nightly
codegen_flags: <defaults>
</compile_context>

<pallas_src>
import functools

import jax
import jax.numpy as jnp
from jax import lax
from jax.experimental import pallas as pl
from jax.experimental.pallas import tpu as pltpu
from jax.experimental.pallas import tpu_sc as plsc

NUM_Q = 100000
EMB = 64

NC = 2
NS = 16
L = 16
NW = NC * NS

CH = 512
IB = 128
KSUB = CH // IB


def _make_gather(B: int):
    assert B % (NW * CH) == 0
    b_per_w = B // NW
    rows_per_w = b_per_w // IB
    n_chunks = b_per_w // CH
    assert n_chunks % 2 == 0
    mesh = plsc.VectorSubcoreMesh(core_axis_name="c", subcore_axis_name="s")

    @functools.partial(
        pl.kernel,
        mesh=mesh,
        compiler_params=pltpu.CompilerParams(use_tc_tiling_on_sc=False),
        out_type=jax.ShapeDtypeStruct((B, EMB), jnp.float32),
        scratch_types=[
            pltpu.VMEM((rows_per_w, IB), jnp.int32),
            pltpu.VMEM((rows_per_w, IB), jnp.int32),
            pltpu.VMEM((CH, EMB), jnp.float32),
            pltpu.VMEM((CH, EMB), jnp.float32),
            pltpu.SemaphoreType.DMA,
            pltpu.SemaphoreType.DMA,
            pltpu.SemaphoreType.DMA,
            pltpu.SemaphoreType.DMA,
        ],
    )
    def gather_kernel(q_hbm, r_hbm, table_hbm, out_hbm,
                      idxv, rv, rows0, rows1, gsem0, gsem1, osem0, osem1):
        wid = lax.axis_index("s") * NC + lax.axis_index("c")
        base = wid * b_per_w

        pltpu.sync_copy(q_hbm.at[pl.ds(wid * rows_per_w, rows_per_w)], idxv)
        pltpu.sync_copy(r_hbm.at[pl.ds(wid * rows_per_w, rows_per_w)], rv)

        @pl.loop(0, rows_per_w)
        def _compute_idx(t):
            for s in range(IB // L):
                sl = pl.ds(s * L, L)
                idxv[t, sl] = idxv[t, sl] + NUM_Q * rv[t, sl]

        def fire(c, rows, gsem):
            for j in range(KSUB):
                pltpu.async_copy(
                    table_hbm.at[idxv.at[c * KSUB + j]],
                    rows.at[pl.ds(j * IB, IB)],
                    gsem,
                )

        def drain_gather(rows, gsem):
            pltpu.make_async_copy(out_hbm.at[pl.ds(0, CH)], rows, gsem).wait()

        def store(c, rows, osem):
            return pltpu.async_copy(rows, out_hbm.at[pl.ds(base + c * CH, CH)], osem)

        def drain_store(rows, osem):
            pltpu.make_async_copy(rows, out_hbm.at[pl.ds(0, CH)], osem).wait()

        fire(0, rows0, gsem0)

        @pl.loop(0, n_chunks // 2)
        def _pair(i):
            c0 = 2 * i
            @pl.when(i > 0)
            def _():
                drain_store(rows1, osem1)

            fire(c0 + 1, rows1, gsem1)
            drain_gather(rows0, gsem0)
            st0 = store(c0, rows0, osem0)
            drain_gather(rows1, gsem1)
            st0.wait()

            @pl.when(i < n_chunks // 2 - 1)
            def _():
                fire(c0 + 2, rows0, gsem0)

            store(c0 + 1, rows1, osem1)

        drain_store(rows1, osem1)

    return gather_kernel


def kernel(q, r, interaction_emb):
    shape = q.shape
    B = q.size
    qf = q.reshape(B // IB, IB).astype(jnp.int32)
    rf = r.reshape(B // IB, IB).astype(jnp.int32)
    out = _make_gather(B)(qf, rf, interaction_emb)
    h = B // 2
    o0 = out[:h].reshape(shape[0] // 2, shape[1], EMB)
    o1 = out[h:].reshape(shape[0] // 2, shape[1], EMB)
    return jnp.concatenate([o0, o1], axis=0)

# --- scband reference (transcript-rebuilt; emitter-appended) ---
"""Pipeline reference for scband-qakt-4312147165859 (READ-ONLY COPY).

The authoritative reference and input builder live on the scoring server;
editing this copy changes nothing except your own understanding.
"""

import jax, jax.numpy as jnp
import numpy as np

NUM_Q = 100000
EMB_SIZE = 64

def setup_inputs(seed: int = 0) -> dict:
    key = jax.random.key(seed)
    k1, k2, k3 = jax.random.split(key, 3)
    q = jax.random.randint(k1, (4096, 200), 0, NUM_Q, dtype=jnp.int64)
    r = jax.random.randint(k2, (4096, 200), 0, 2, dtype=jnp.int64)
    interaction_emb = jax.random.normal(k3, (2 * NUM_Q, EMB_SIZE), dtype=jnp.float32)
    return {"q": q, "r": r, "interaction_emb": interaction_emb}

def reference(q, r, interaction_emb):
    # x = q + num_q * r ; x = self.interaction_emb(x)
    x = q + NUM_Q * r
    x = jnp.take(interaction_emb, x, axis=0)
    return x

if __name__ == "__main__":
    import jax
    _d = setup_inputs()
    print(jax.jit(kernel)(*tuple(_d.values())))

</pallas_src>

<mosaic_0001>
#map = affine_map<(d0, d1) -> (0, 0)>
module attributes {stable_mosaic.version = 14 : i64} {
  func.func @gather_kernel(%arg0: i32, %arg1: i32, %arg2: memref<6400x128xi32, #tpu.memory_space<hbm>>, %arg3: memref<6400x128xi32, #tpu.memory_space<hbm>>, %arg4: memref<200000x64xf32, #tpu.memory_space<hbm>>, %arg5: memref<819200x64xf32, #tpu.memory_space<hbm>>, %arg6: memref<200x128xi32, #tpu.memory_space<vmem>>, %arg7: memref<200x128xi32, #tpu.memory_space<vmem>>, %arg8: memref<512x64xf32, #tpu.memory_space<vmem>>, %arg9: memref<512x64xf32, #tpu.memory_space<vmem>>, %arg10: memref<!tpu.dma_semaphore, #tpu.memory_space<semaphore_mem>>, %arg11: memref<!tpu.dma_semaphore, #tpu.memory_space<semaphore_mem>>, %arg12: memref<!tpu.dma_semaphore, #tpu.memory_space<semaphore_mem>>, %arg13: memref<!tpu.dma_semaphore, #tpu.memory_space<semaphore_mem>>) attributes {dimension_semantics = [#tpu.dimension_semantics<core_parallel>, #tpu.dimension_semantics<subcore_parallel>], iteration_bounds = array<i64: 2, 16>, scalar_prefetch = 0 : i64, scratch_operands = 8 : i64, tpu.core_type = #tpu.core_type<sc_vector_subcore>, window_params = [{transform_indices = #map}, {transform_indices = #map}, {transform_indices = #map}, {transform_indices = #map}]} {
    %mul3A = arith.constant 2 : i32
    %mul3A_0 = arith.muli %arg1, %mul3A : i32
    %add3A = arith.addi %mul3A_0, %arg0 : i32
    %mul3A_1 = arith.constant 25600 : i32
    %mul3A_2 = arith.muli %add3A, %mul3A_1 : i32
    %mul3A_3 = arith.constant 200 : i32
    %mul3A_4 = arith.muli %add3A, %mul3A_3 : i32
    "tpu.region"() ({
      %run_scoped3A = tpu.sem_alloc : memref<!tpu.dma_semaphore, #tpu.memory_space<semaphore_mem>>
      %dma_start3A_60 = arith.constant 0 : i32
      %dma_start3A_61 = tpu.memref_slice %arg2[%mul3A_4, %dma_start3A_60] : memref<6400x128xi32, #tpu.memory_space<hbm>> -> memref<200x128xi32, #tpu.memory_space<hbm>>
      %dma_start3A_62 = arith.constant 0 : i32
      %dma_start3A_63 = tpu.memref_slice %arg2[%mul3A_4, %dma_start3A_62] : memref<6400x128xi32, #tpu.memory_space<hbm>> -> memref<200x128xi32, #tpu.memory_space<hbm>>
      tpu.enqueue_dma source(%dma_start3A_63 : memref<200x128xi32, #tpu.memory_space<hbm>>) target(%arg6 : memref<200x128xi32, #tpu.memory_space<vmem>>) target_semaphore(%run_scoped3A : memref<!tpu.dma_semaphore, #tpu.memory_space<semaphore_mem>>)
      %dma_wait3A_64 = arith.constant 0 : i32
      %dma_wait3A_65 = tpu.memref_slice %arg2[%mul3A_4, %dma_wait3A_64] : memref<6400x128xi32, #tpu.memory_space<hbm>> -> memref<200x128xi32, #tpu.memory_space<hbm>>
      %dma_wait3A_66 = arith.constant 0 : i32
      %dma_wait3A_67 = tpu.memref_slice %arg2[%mul3A_4, %dma_wait3A_66] : memref<6400x128xi32, #tpu.memory_space<hbm>> -> memref<200x128xi32, #tpu.memory_space<hbm>>
      tpu.wait_dma2 semaphore(%run_scoped3A : memref<!tpu.dma_semaphore, #tpu.memory_space<semaphore_mem>>) src(%dma_wait3A_67 : memref<200x128xi32, #tpu.memory_space<hbm>>) dst(%arg6 : memref<200x128xi32, #tpu.memory_space<vmem>>)
      tpu.yield
    }) : () -> ()
    %mul3A_5 = arith.constant 200 : i32
    %mul3A_6 = arith.muli %add3A, %mul3A_5 : i32
    "tpu.region"() ({
      %run_scoped3A = tpu.sem_alloc : memref<!tpu.dma_semaphore, #tpu.memory_space<semaphore_mem>>
      %dma_start3A_60 = arith.constant 0 : i32
      %dma_start3A_61 = tpu.memref_slice %arg3[%mul3A_6, %dma_start3A_60] : memref<6400x128xi32, #tpu.memory_space<hbm>> -> memref<200x128xi32, #tpu.memory_space<hbm>>
      %dma_start3A_62 = arith.constant 0 : i32
      %dma_start3A_63 = tpu.memref_slice %arg3[%mul3A_6, %dma_start3A_62] : memref<6400x128xi32, #tpu.memory_space<hbm>> -> memref<200x128xi32, #tpu.memory_space<hbm>>
      tpu.enqueue_dma source(%dma_start3A_63 : memref<200x128xi32, #tpu.memory_space<hbm>>) target(%arg7 : memref<200x128xi32, #tpu.memory_space<vmem>>) target_semaphore(%run_scoped3A : memref<!tpu.dma_semaphore, #tpu.memory_space<semaphore_mem>>)
      %dma_wait3A_64 = arith.constant 0 : i32
      %dma_wait3A_65 = tpu.memref_slice %arg3[%mul3A_6, %dma_wait3A_64] : memref<6400x128xi32, #tpu.memory_space<hbm>> -> memref<200x128xi32, #tpu.memory_space<hbm>>
      %dma_wait3A_66 = arith.constant 0 : i32
      %dma_wait3A_67 = tpu.memref_slice %arg3[%mul3A_6, %dma_wait3A_66] : memref<6400x128xi32, #tpu.memory_space<hbm>> -> memref<200x128xi32, #tpu.memory_space<hbm>>
      tpu.wait_dma2 semaphore(%run_scoped3A : memref<!tpu.dma_semaphore, #tpu.memory_space<semaphore_mem>>) src(%dma_wait3A_67 : memref<200x128xi32, #tpu.memory_space<hbm>>) dst(%arg7 : memref<200x128xi32, #tpu.memory_space<vmem>>)
      tpu.yield
    }) : () -> ()
    %scan3A = arith.constant 0 : i32
    %scan3A_7 = arith.constant 200 : i32
    %scan3A_8 = arith.addi %scan3A, %scan3A_7 : i32
    %scan3A_9 = arith.constant 1 : i32
    scf.for %scan3A_60 = %scan3A to %scan3A_8 step %scan3A_9  : i32 {
      %mul3A_61 = arith.constant 1 : i32
      %mul3A_62 = arith.muli %scan3A_60, %mul3A_61 : i32
      %add3A_63 = arith.constant 0 : i32
      %add3A_64 = arith.addi %add3A_63, %mul3A_62 : i32
      %get3A = arith.index_cast %add3A_64 : i32 to index
      %get3A_65 = arith.constant 0 : index
      %get3A_66 = tpu.vector_load %arg6[%get3A, %get3A_65] {strides = array<i32>} : memref<200x128xi32, #tpu.memory_space<vmem>>, vector<1x16xi32>,
      %get3A_67 = vector.shape_cast %get3A_66 : vector<1x16xi32> to vector<16xi32>
      %get3A_68 = arith.index_cast %add3A_64 : i32 to index
      %get3A_69 = arith.constant 0 : index
      %get3A_70 = tpu.vector_load %arg7[%get3A_68, %get3A_69] {strides = array<i32>} : memref<200x128xi32, #tpu.memory_space<vmem>>, vector<1x16xi32>,
      %get3A_71 = vector.shape_cast %get3A_70 : vector<1x16xi32> to vector<16xi32>
      %mul3A_72 = arith.constant 100000 : i32
      %mul3A_73 = vector.broadcast %mul3A_72 : i32 to vector<16xi32>
      %mul3A_74 = arith.muli %mul3A_73, %get3A_71 : vector<16xi32>
      %add3A_75 = arith.addi %get3A_67, %mul3A_74 : vector<16xi32>
      %swap3A = arith.index_cast %add3A_64 : i32 to index
      %swap3A_76 = arith.constant 0 : index
      %swap3A_77 = tpu.vector_load %arg6[%swap3A, %swap3A_76] {strides = array<i32>} : memref<200x128xi32, #tpu.memory_space<vmem>>, vector<1x16xi32>,
      %swap3A_78 = vector.shape_cast %swap3A_77 : vector<1x16xi32> to vector<16xi32>
      %swap3A_79 = vector.shape_cast %add3A_75 : vector<16xi32> to vector<1x16xi32>
      tpu.vector_store %arg6[%swap3A, %swap3A_76], %swap3A_79 {strides = array<i32>} : memref<200x128xi32, #tpu.memory_space<vmem>>, vector<1x16xi32>,
      %get3A_80 = arith.index_cast %add3A_64 : i32 to index
      %get3A_81 = arith.constant 16 : index
      %get3A_82 = tpu.vector_load %arg6[%get3A_80, %get3A_81] {strides = array<i32>} : memref<200x128xi32, #tpu.memory_space<vmem>>, vector<1x16xi32>,
      %get3A_83 = vector.shape_cast %get3A_82 : vector<1x16xi32> to vector<16xi32>
      %get3A_84 = arith.index_cast %add3A_64 : i32 to index
      %get3A_85 = arith.constant 16 : index
      %get3A_86 = tpu.vector_load %arg7[%get3A_84, %get3A_85] {strides = array<i32>} : memref<200x128xi32, #tpu.memory_space<vmem>>, vector<1x16xi32>,
      %get3A_87 = vector.shape_cast %get3A_86 : vector<1x16xi32> to vector<16xi32>
      %mul3A_88 = arith.constant 100000 : i32
      %mul3A_89 = vector.broadcast %mul3A_88 : i32 to vector<16xi32>
      %mul3A_90 = arith.muli %mul3A_89, %get3A_87 : vector<16xi32>
      %add3A_91 = arith.addi %get3A_83, %mul3A_90 : vector<16xi32>
      %swap3A_92 = arith.index_cast %add3A_64 : i32 to index
      %swap3A_93 = arith.constant 16 : index
      %swap3A_94 = tpu.vector_load %arg6[%swap3A_92, %swap3A_93] {strides = array<i32>} : memref<200x128xi32, #tpu.memory_space<vmem>>, vector<1x16xi32>,
      %swap3A_95 = vector.shape_cast %swap3A_94 : vector<1x16xi32> to vector<16xi32>
      %swap3A_96 = vector.shape_cast %add3A_91 : vector<16xi32> to vector<1x16xi32>
      tpu.vector_store %arg6[%swap3A_92, %swap3A_93], %swap3A_96 {strides = array<i32>} : memref<200x128xi32, #tpu.memory_space<vmem>>, vector<1x16xi32>,
      %get3A_97 = arith.index_cast %add3A_64 : i32 to index
      %get3A_98 = arith.constant 32 : index
      %get3A_99 = tpu.vector_load %arg6[%get3A_97, %get3A_98] {strides = array<i32>} : memref<200x128xi32, #tpu.memory_space<vmem>>, vector<1x16xi32>,
      %get3A_100 = vector.shape_cast %get3A_99 : vector<1x16xi32> to vector<16xi32>
      %get3A_101 = arith.index_cast %add3A_64 : i32 to index
      %get3A_102 = arith.constant 32 : index
      %get3A_103 = tpu.vector_load %arg7[%get3A_101, %get3A_102] {strides = array<i32>} : memref<200x128xi32, #tpu.memory_space<vmem>>, vector<1x16xi32>,
      %get3A_104 = vector.shape_cast %get3A_103 : vector<1x16xi32> to vector<16xi32>
      %mul3A_105 = arith.constant 100000 : i32
      %mul3A_106 = vector.broadcast %mul3A_105 : i32 to vector<16xi32>
      %mul3A_107 = arith.muli %mul3A_106, %get3A_104 : vector<16xi32>
      %add3A_108 = arith.addi %get3A_100, %mul3A_107 : vector<16xi32>
      %swap3A_109 = arith.index_cast %add3A_64 : i32 to index
      %swap3A_110 = arith.constant 32 : index
      %swap3A_111 = tpu.vector_load %arg6[%swap3A_109, %swap3A_110] {strides = array<i32>} : memref<200x128xi32, #tpu.memory_space<vmem>>, vector<1x16xi32>,
      %swap3A_112 = vector.shape_cast %swap3A_111 : vector<1x16xi32> to vector<16xi32>
      %swap3A_113 = vector.shape_cast %add3A_108 : vector<16xi32> to vector<1x16xi32>
      tpu.vector_store %arg6[%swap3A_109, %swap3A_110], %swap3A_113 {strides = array<i32>} : memref<200x128xi32, #tpu.memory_space<vmem>>, vector<1x16xi32>,
      %get3A_114 = arith.index_cast %add3A_64 : i32 to index
      %get3A_115 = arith.constant 48 : index
      %get3A_116 = tpu.vector_load %arg6[%get3A_114, %get3A_115] {strides = array<i32>} : memref<200x128xi32, #tpu.memory_space<vmem>>, vector<1x16xi32>,
      %get3A_117 = vector.shape_cast %get3A_116 : vector<1x16xi32> to vector<16xi32>
      %get3A_118 = arith.index_cast %add3A_64 : i32 to index
      %get3A_119 = arith.constant 48 : index
      %get3A_120 = tpu.vector_load %arg7[%get3A_118, %get3A_119] {strides = array<i32>} : memref<200x128xi32, #tpu.memory_space<vmem>>, vector<1x16xi32>,
      %get3A_121 = vector.shape_cast %get3A_120 : vector<1x16xi32> to vector<16xi32>
      %mul3A_122 = arith.constant 100000 : i32
      %mul3A_123 = vector.broadcast %mul3A_122 : i32 to vector<16xi32>
      %mul3A_124 = arith.muli %mul3A_123, %get3A_121 : vector<16xi32>
      %add3A_125 = arith.addi %get3A_117, %mul3A_124 : vector<16xi32>
      %swap3A_126 = arith.index_cast %add3A_64 : i32 to index
      %swap3A_127 = arith.constant 48 : index
      %swap3A_128 = tpu.vector_load %arg6[%swap3A_126, %swap3A_127] {strides = array<i32>} : memref<200x128xi32, #tpu.memory_space<vmem>>, vector<1x16xi32>,
      %swap3A_129 = vector.shape_cast %swap3A_128 : vector<1x16xi32> to vector<16xi32>
      %swap3A_130 = vector.shape_cast %add3A_125 : vector<16xi32> to vector<1x16xi32>
      tpu.vector_store %arg6[%swap3A_126, %swap3A_127], %swap3A_130 {strides = array<i32>} : memref<200x128xi32, #tpu.memory_space<vmem>>, vector<1x16xi32>,
      %get3A_131 = arith.index_cast %add3A_64 : i32 to index
      %get3A_132 = arith.constant 64 : index
      %get3A_133 = tpu.vector_load %arg6[%get3A_131, %get3A_132] {strides = array<i32>} : memref<200x128xi32, #tpu.memory_space<vmem>>, vector<1x16xi32>,
      %get3A_134 = vector.shape_cast %get3A_133 : vector<1x16xi32> to vector<16xi32>
      %get3A_135 = arith.index_cast %add3A_64 : i32 to index
      %get3A_136 = arith.constant 64 : index
      %get3A_137 = tpu.vector_load %arg7[%get3A_135, %get3A_136] {strides = array<i32>} : memref<200x128xi32, #tpu.memory_space<vmem>>, vector<1x16xi32>,
      %get3A_138 = vector.shape_cast %get3A_137 : vector<1x16xi32> to vector<16xi32>
      %mul3A_139 = arith.constant 100000 : i32
      %mul3A_140 = vector.broadcast %mul3A_139 : i32 to vector<16xi32>
      %mul3A_141 = arith.muli %mul3A_140, %get3A_138 : vector<16xi32>
      %add3A_142 = arith.addi %get3A_134, %mul3A_141 : vector<16xi32>
      %swap3A_143 = arith.index_cast %add3A_64 : i32 to index
      %swap3A_144 = arith.constant 64 : index
      %swap3A_145 = tpu.vector_load %arg6[%swap3A_143, %swap3A_144] {strides = array<i32>} : memref<200x128xi32, #tpu.memory_space<vmem>>, vector<1x16xi32>,
      %swap3A_146 = vector.shape_cast %swap3A_145 : vector<1x16xi32> to vector<16xi32>
      %swap3A_147 = vector.shape_cast %add3A_142 : vector<16xi32> to vector<1x16xi32>
      tpu.vector_store %arg6[%swap3A_143, %swap3A_144], %swap3A_147 {strides = array<i32>} : memref<200x128xi32, #tpu.memory_space<vmem>>, vector<1x16xi32>,
      %get3A_148 = arith.index_cast %add3A_64 : i32 to index
      %get3A_149 = arith.constant 80 : index
      %get3A_150 = tpu.vector_load %arg6[%get3A_148, %get3A_149] {strides = array<i32>} : memref<200x128xi32, #tpu.memory_space<vmem>>, vector<1x16xi32>,
      %get3A_151 = vector.shape_cast %get3A_150 : vector<1x16xi32> to vector<16xi32>
      %get3A_152 = arith.index_cast %add3A_64 : i32 to index
      %get3A_153 = arith.constant 80 : index
      %get3A_154 = tpu.vector_load %arg7[%get3A_152, %get3A_153] {strides = array<i32>} : memref<200x128xi32, #tpu.memory_space<vmem>>, vector<1x16xi32>,
      %get3A_155 = vector.shape_cast %get3A_154 : vector<1x16xi32> to vector<16xi32>
      %mul3A_156 = arith.constant 100000 : i32
      %mul3A_157 = vector.broadcast %mul3A_156 : i32 to vector<16xi32>
      %mul3A_158 = arith.muli %mul3A_157, %get3A_155 : vector<16xi32>
      %add3A_159 = arith.addi %get3A_151, %mul3A_158 : vector<16xi32>
      %swap3A_160 = arith.index_cast %add3A_64 : i32 to index
      %swap3A_161 = arith.constant 80 : index
      %swap3A_162 = tpu.vector_load %arg6[%swap3A_160, %swap3A_161] {strides = array<i32>} : memref<200x128xi32, #tpu.memory_space<vmem>>, vector<1x16xi32>,
      %swap3A_163 = vector.shape_cast %swap3A_162 : vector<1x16xi32> to vector<16xi32>
      %swap3A_164 = vector.shape_cast %add3A_159 : vector<16xi32> to vector<1x16xi32>
      tpu.vector_store %arg6[%swap3A_160, %swap3A_161], %swap3A_164 {strides = array<i32>} : memref<200x128xi32, #tpu.memory_space<vmem>>, vector<1x16xi32>,
      %get3A_165 = arith.index_cast %add3A_64 : i32 to index
      %get3A_166 = arith.constant 96 : index
      %get3A_167 = tpu.vector_load %arg6[%get3A_165, %get3A_166] {strides = array<i32>} : memref<200x128xi32, #tpu.memory_space<vmem>>, vector<1x16xi32>,
      %get3A_168 = vector.shape_cast %get3A_167 : vector<1x16xi32> to vector<16xi32>
      %get3A_169 = arith.index_cast %add3A_64 : i32 to index
      %get3A_170 = arith.constant 96 : index
      %get3A_171 = tpu.vector_load %arg7[%get3A_169, %get3A_170] {strides = array<i32>} : memref<200x128xi32, #tpu.memory_space<vmem>>, vector<1x16xi32>,
      %get3A_172 = vector.shape_cast %get3A_171 : vector<1x16xi32> to vector<16xi32>
      %mul3A_173 = arith.constant 100000 : i32
      %mul3A_174 = vector.broadcast %mul3A_173 : i32 to vector<16xi32>
      %mul3A_175 = arith.muli %mul3A_174, %get3A_172 : vector<16xi32>
      %add3A_176 = arith.addi %get3A_168, %mul3A_175 : vector<16xi32>
      %swap3A_177 = arith.index_cast %add3A_64 : i32 to index
      %swap3A_178 = arith.constant 96 : index
      %swap3A_179 = tpu.vector_load %arg6[%swap3A_177, %swap3A_178] {strides = array<i32>} : memref<200x128xi32, #tpu.memory_space<vmem>>, vector<1x16xi32>,
      %swap3A_180 = vector.shape_cast %swap3A_179 : vector<1x16xi32> to vector<16xi32>
      %swap3A_181 = vector.shape_cast %add3A_176 : vector<16xi32> to vector<1x16xi32>
      tpu.vector_store %arg6[%swap3A_177, %swap3A_178], %swap3A_181 {strides = array<i32>} : memref<200x128xi32, #tpu.memory_space<vmem>>, vector<1x16xi32>,
      %get3A_182 = arith.index_cast %add3A_64 : i32 to index
      %get3A_183 = arith.constant 112 : index
      %get3A_184 = tpu.vector_load %arg6[%get3A_182, %get3A_183] {strides = array<i32>} : memref<200x128xi32, #tpu.memory_space<vmem>>, vector<1x16xi32>,
      %get3A_185 = vector.shape_cast %get3A_184 : vector<1x16xi32> to vector<16xi32>
      %get3A_186 = arith.index_cast %add3A_64 : i32 to index
      %get3A_187 = arith.constant 112 : index
      %get3A_188 = tpu.vector_load %arg7[%get3A_186, %get3A_187] {strides = array<i32>} : memref<200x128xi32, #tpu.memory_space<vmem>>, vector<1x16xi32>,
      %get3A_189 = vector.shape_cast %get3A_188 : vector<1x16xi32> to vector<16xi32>
      %mul3A_190 = arith.constant 100000 : i32
      %mul3A_191 = vector.broadcast %mul3A_190 : i32 to vector<16xi32>
      %mul3A_192 = arith.muli %mul3A_191, %get3A_189 : vector<16xi32>
      %add3A_193 = arith.addi %get3A_185, %mul3A_192 : vector<16xi32>
      %swap3A_194 = arith.index_cast %add3A_64 : i32 to index
      %swap3A_195 = arith.constant 112 : index
      %swap3A_196 = tpu.vector_load %arg6[%swap3A_194, %swap3A_195] {strides = array<i32>} : memref<200x128xi32, #tpu.memory_space<vmem>>, vector<1x16xi32>,
      %swap3A_197 = vector.shape_cast %swap3A_196 : vector<1x16xi32> to vector<16xi32>
      %swap3A_198 = vector.shape_cast %add3A_193 : vector<16xi32> to vector<1x16xi32>
      tpu.vector_store %arg6[%swap3A_194, %swap3A_195], %swap3A_198 {strides = array<i32>} : memref<200x128xi32, #tpu.memory_space<vmem>>, vector<1x16xi32>,
    }
    %scan3A_10 = arith.constant 200 : i32
    %dma_start3A = arith.constant 0 : i32
    %dma_start3A_11 = arith.constant 0 : i32
    %dma_start3A_12 = arith.constant 0 : i32
    %dma_start3A_13 = tpu.memref_slice %arg8[%dma_start3A_11, %dma_start3A_12] : memref<512x64xf32, #tpu.memory_space<vmem>> -> memref<128x64xf32, #tpu.memory_space<vmem>>
    %dma_start3A_14 = arith.constant 0 : i32
    %dma_start3A_15 = tpu.memref_slice %arg6[%dma_start3A, %dma_start3A_14] : memref<200x128xi32, #tpu.memory_space<vmem>> -> memref<1x128xi32, #tpu.memory_space<vmem>>
    %dma_start3A_16 = tpu.memref_squeeze %dma_start3A_15 : memref<1x128xi32, #tpu.memory_space<vmem>> -> memref<128xi32, #tpu.memory_space<vmem>>
    %dma_start3A_17 = arith.constant 0 : i32
    %dma_start3A_18 = arith.constant 0 : i32
    %dma_start3A_19 = tpu.memref_slice %arg4[%dma_start3A_17, %dma_start3A_18] : memref<200000x64xf32, #tpu.memory_space<hbm>> -> memref<200000x64xf32, #tpu.memory_space<hbm>>
    tpu.enqueue_indirect_dma source(%dma_start3A_19 : memref<200000x64xf32, #tpu.memory_space<hbm>>) target(%dma_start3A_13 : memref<128x64xf32, #tpu.memory_space<vmem>>) offsets(%dma_start3A_16 : memref<128xi32, #tpu.memory_space<vmem>>) semaphore(%arg10 : memref<!tpu.dma_semaphore, #tpu.memory_space<semaphore_mem>>)
    %dma_start3A_20 = arith.constant 1 : i32
    %dma_start3A_21 = arith.constant 128 : i32
    %dma_start3A_22 = arith.constant 0 : i32
    %dma_start3A_23 = tpu.memref_slice %arg8[%dma_start3A_21, %dma_start3A_22] : memref<512x64xf32, #tpu.memory_space<vmem>> -> memref<128x64xf32, #tpu.memory_space<vmem>>
    %dma_start3A_24 = arith.constant 0 : i32
    %dma_start3A_25 = tpu.memref_slice %arg6[%dma_start3A_20, %dma_start3A_24] : memref<200x128xi32, #tpu.memory_space<vmem>> -> memref<1x128xi32, #tpu.memory_space<vmem>>
    %dma_start3A_26 = tpu.memref_squeeze %dma_start3A_25 : memref<1x128xi32, #tpu.memory_space<vmem>> -> memref<128xi32, #tpu.memory_space<vmem>>
    %dma_start3A_27 = arith.constant 0 : i32
    %dma_start3A_28 = arith.constant 0 : i32
    %dma_start3A_29 = tpu.memref_slice %arg4[%dma_start3A_27, %dma_start3A_28] : memref<200000x64xf32, #tpu.memory_space<hbm>> -> memref<200000x64xf32, #tpu.memory_space<hbm>>
    tpu.enqueue_indirect_dma source(%dma_start3A_29 : memref<200000x64xf32, #tpu.memory_space<hbm>>) target(%dma_start3A_23 : memref<128x64xf32, #tpu.memory_space<vmem>>) offsets(%dma_start3A_26 : memref<128xi32, #tpu.memory_space<vmem>>) semaphore(%arg10 : memref<!tpu.dma_semaphore, #tpu.memory_space<semaphore_mem>>)
    %dma_start3A_30 = arith.constant 2 : i32
    %dma_start3A_31 = arith.constant 256 : i32
    %dma_start3A_32 = arith.constant 0 : i32
    %dma_start3A_33 = tpu.memref_slice %arg8[%dma_start3A_31, %dma_start3A_32] : memref<512x64xf32, #tpu.memory_space<vmem>> -> memref<128x64xf32, #tpu.memory_space<vmem>>
    %dma_start3A_34 = arith.constant 0 : i32
    %dma_start3A_35 = tpu.memref_slice %arg6[%dma_start3A_30, %dma_start3A_34] : memref<200x128xi32, #tpu.memory_space<vmem>> -> memref<1x128xi32, #tpu.memory_space<vmem>>
    %dma_start3A_36 = tpu.memref_squeeze %dma_start3A_35 : memref<1x128xi32, #tpu.memory_space<vmem>> -> memref<128xi32, #tpu.memory_space<vmem>>
    %dma_start3A_37 = arith.constant 0 : i32
    %dma_start3A_38 = arith.constant 0 : i32
    %dma_start3A_39 = tpu.memref_slice %arg4[%dma_start3A_37, %dma_start3A_38] : memref<200000x64xf32, #tpu.memory_space<hbm>> -> memref<200000x64xf32, #tpu.memory_space<hbm>>
    tpu.enqueue_indirect_dma source(%dma_start3A_39 : memref<200000x64xf32, #tpu.memory_space<hbm>>) target(%dma_start3A_33 : memref<128x64xf32, #tpu.memory_space<vmem>>) offsets(%dma_start3A_36 : memref<128xi32, #tpu.memory_space<vmem>>) semaphore(%arg10 : memref<!tpu.dma_semaphore, #tpu.memory_space<semaphore_mem>>)
    %dma_start3A_40 = arith.constant 3 : i32
    %dma_start3A_41 = arith.constant 384 : i32
    %dma_start3A_42 = arith.constant 0 : i32
    %dma_start3A_43 = tpu.memref_slice %arg8[%dma_start3A_41, %dma_start3A_42] : memref<512x64xf32, #tpu.memory_space<vmem>> -> memref<128x64xf32, #tpu.memory_space<vmem>>
    %dma_start3A_44 = arith.constant 0 : i32
    %dma_start3A_45 = tpu.memref_slice %arg6[%dma_start3A_40, %dma_start3A_44] : memref<200x128xi32, #tpu.memory_space<vmem>> -> memref<1x128xi32, #tpu.memory_space<vmem>>
    %dma_start3A_46 = tpu.memref_squeeze %dma_start3A_45 : memref<1x128xi32, #tpu.memory_space<vmem>> -> memref<128xi32, #tpu.memory_space<vmem>>
    %dma_start3A_47 = arith.constant 0 : i32
    %dma_start3A_48 = arith.constant 0 : i32
    %dma_start3A_49 = tpu.memref_slice %arg4[%dma_start3A_47, %dma_start3A_48] : memref<200000x64xf32, #tpu.memory_space<hbm>> -> memref<200000x64xf32, #tpu.memory_space<hbm>>
    tpu.enqueue_indirect_dma source(%dma_start3A_49 : memref<200000x64xf32, #tpu.memory_space<hbm>>) target(%dma_start3A_43 : memref<128x64xf32, #tpu.memory_space<vmem>>) offsets(%dma_start3A_46 : memref<128xi32, #tpu.memory_space<vmem>>) semaphore(%arg10 : memref<!tpu.dma_semaphore, #tpu.memory_space<semaphore_mem>>)
    %scan3A_50 = arith.constant 0 : i32
    %scan3A_51 = arith.constant 25 : i32
    %scan3A_52 = arith.addi %scan3A_50, %scan3A_51 : i32
    %scan3A_53 = arith.constant 1 : i32
    scf.for %scan3A_60 = %scan3A_50 to %scan3A_52 step %scan3A_53  : i32 {
      %mul3A_61 = arith.constant 1 : i32
      %mul3A_62 = arith.muli %scan3A_60, %mul3A_61 : i32
      %add3A_63 = arith.constant 0 : i32
      %add3A_64 = arith.addi %add3A_63, %mul3A_62 : i32
      %mul3A_65 = arith.constant 2 : i32
      %mul3A_66 = arith.muli %mul3A_65, %add3A_64 : i32
      %gt3A = arith.constant 0 : i32
      %gt3A_67 = arith.cmpi sgt, %add3A_64, %gt3A : i32
      %convert_element_type3A = arith.extui %gt3A_67 : i1 to i32
      %cond3A = arith.constant 0 : i32
      %cond3A_68 = arith.cmpi ne, %convert_element_type3A, %cond3A : i32
      scf.if %cond3A_68 {
        %dma_wait3A_159 = arith.constant 0 : i32
        %dma_wait3A_160 = arith.constant 0 : i32
        %dma_wait3A_161 = tpu.memref_slice %arg5[%dma_wait3A_159, %dma_wait3A_160] : memref<819200x64xf32, #tpu.memory_space<hbm>> -> memref<512x64xf32, #tpu.memory_space<hbm>>
        %dma_wait3A_162 = arith.constant 0 : i32
        %dma_wait3A_163 = arith.constant 0 : i32
        %dma_wait3A_164 = tpu.memref_slice %arg5[%dma_wait3A_162, %dma_wait3A_163] : memref<819200x64xf32, #tpu.memory_space<hbm>> -> memref<512x64xf32, #tpu.memory_space<hbm>>
        tpu.wait_dma2 semaphore(%arg13 : memref<!tpu.dma_semaphore, #tpu.memory_space<semaphore_mem>>) src(%arg9 : memref<512x64xf32, #tpu.memory_space<vmem>>) dst(%dma_wait3A_164 : memref<512x64xf32, #tpu.memory_space<hbm>>)
      } else {
      }
      %add3A_69 = arith.constant 1 : i32
      %add3A_70 = arith.addi %mul3A_66, %add3A_69 : i32
      %mul3A_71 = arith.constant 4 : i32
      %mul3A_72 = arith.muli %add3A_70, %mul3A_71 : i32
      %add3A_73 = arith.constant 0 : i32
      %add3A_74 = arith.addi %mul3A_72, %add3A_73 : i32
      %dma_start3A_75 = arith.constant 0 : i32
      %dma_start3A_76 = arith.constant 0 : i32
      %dma_start3A_77 = tpu.memref_slice %arg9[%dma_start3A_75, %dma_start3A_76] : memref<512x64xf32, #tpu.memory_space<vmem>> -> memref<128x64xf32, #tpu.memory_space<vmem>>
      %dma_start3A_78 = arith.constant 0 : i32
      %dma_start3A_79 = tpu.memref_slice %arg6[%add3A_74, %dma_start3A_78] : memref<200x128xi32, #tpu.memory_space<vmem>> -> memref<1x128xi32, #tpu.memory_space<vmem>>
      %dma_start3A_80 = tpu.memref_squeeze %dma_start3A_79 : memref<1x128xi32, #tpu.memory_space<vmem>> -> memref<128xi32, #tpu.memory_space<vmem>>
      %dma_start3A_81 = arith.constant 0 : i32
      %dma_start3A_82 = arith.constant 0 : i32
      %dma_start3A_83 = tpu.memref_slice %arg4[%dma_start3A_81, %dma_start3A_82] : memref<200000x64xf32, #tpu.memory_space<hbm>> -> memref<200000x64xf32, #tpu.memory_space<hbm>>
      tpu.enqueue_indirect_dma source(%dma_start3A_83 : memref<200000x64xf32, #tpu.memory_space<hbm>>) target(%dma_start3A_77 : memref<128x64xf32, #tpu.memory_space<vmem>>) offsets(%dma_start3A_80 : memref<128xi32, #tpu.memory_space<vmem>>) semaphore(%arg11 : memref<!tpu.dma_semaphore, #tpu.memory_space<semaphore_mem>>)
      %mul3A_84 = arith.constant 4 : i32
      %mul3A_85 = arith.muli %add3A_70, %mul3A_84 : i32
      %add3A_86 = arith.constant 1 : i32
      %add3A_87 = arith.addi %mul3A_85, %add3A_86 : i32
      %dma_start3A_88 = arith.constant 128 : i32
      %dma_start3A_89 = arith.constant 0 : i32
      %dma_start3A_90 = tpu.memref_slice %arg9[%dma_start3A_88, %dma_start3A_89] : memref<512x64xf32, #tpu.memory_space<vmem>> -> memref<128x64xf32, #tpu.memory_space<vmem>>
      %dma_start3A_91 = arith.constant 0 : i32
      %dma_start3A_92 = tpu.memref_slice %arg6[%add3A_87, %dma_start3A_91] : memref<200x128xi32, #tpu.memory_space<vmem>> -> memref<1x128xi32, #tpu.memory_space<vmem>>
      %dma_start3A_93 = tpu.memref_squeeze %dma_start3A_92 : memref<1x128xi32, #tpu.memory_space<vmem>> -> memref<128xi32, #tpu.memory_space<vmem>>
      %dma_start3A_94 = arith.constant 0 : i32
      %dma_start3A_95 = arith.constant 0 : i32
      %dma_start3A_96 = tpu.memref_slice %arg4[%dma_start3A_94, %dma_start3A_95] : memref<200000x64xf32, #tpu.memory_space<hbm>> -> memref<200000x64xf32, #tpu.memory_space<hbm>>
      tpu.enqueue_indirect_dma source(%dma_start3A_96 : memref<200000x64xf32, #tpu.memory_space<hbm>>) target(%dma_start3A_90 : memref<128x64xf32, #tpu.memory_space<vmem>>) offsets(%dma_start3A_93 : memref<128xi32, #tpu.memory_space<vmem>>) semaphore(%arg11 : memref<!tpu.dma_semaphore, #tpu.memory_space<semaphore_mem>>)
      %mul3A_97 = arith.constant 4 : i32
      %mul3A_98 = arith.muli %add3A_70, %mul3A_97 : i32
      %add3A_99 = arith.constant 2 : i32
      %add3A_100 = arith.addi %mul3A_98, %add3A_99 : i32
      %dma_start3A_101 = arith.constant 256 : i32
      %dma_start3A_102 = arith.constant 0 : i32
      %dma_start3A_103 = tpu.memref_slice %arg9[%dma_start3A_101, %dma_start3A_102] : memref<512x64xf32, #tpu.memory_space<vmem>> -> memref<128x64xf32, #tpu.memory_space<vmem>>
      %dma_start3A_104 = arith.constant 0 : i32
      %dma_start3A_105 = tpu.memref_slice %arg6[%add3A_100, %dma_start3A_104] : memref<200x128xi32, #tpu.memory_space<vmem>> -> memref<1x128xi32, #tpu.memory_space<vmem>>
      %dma_start3A_106 = tpu.memref_squeeze %dma_start3A_105 : memref<1x128xi32, #tpu.memory_space<vmem>> -> memref<128xi32, #tpu.memory_space<vmem>>
      %dma_start3A_107 = arith.constant 0 : i32
      %dma_start3A_108 = arith.constant 0 : i32
      %dma_start3A_109 = tpu.memref_slice %arg4[%dma_start3A_107, %dma_start3A_108] : memref<200000x64xf32, #tpu.memory_space<hbm>> -> memref<200000x64xf32, #tpu.memory_space<hbm>>
      tpu.enqueue_indirect_dma source(%dma_start3A_109 : memref<200000x64xf32, #tpu.memory_space<hbm>>) target(%dma_start3A_103 : memref<128x64xf32, #tpu.memory_space<vmem>>) offsets(%dma_start3A_106 : memref<128xi32, #tpu.memory_space<vmem>>) semaphore(%arg11 : memref<!tpu.dma_semaphore, #tpu.memory_space<semaphore_mem>>)
      %mul3A_110 = arith.constant 4 : i32
      %mul3A_111 = arith.muli %add3A_70, %mul3A_110 : i32
      %add3A_112 = arith.constant 3 : i32
      %add3A_113 = arith.addi %mul3A_111, %add3A_112 : i32
      %dma_start3A_114 = arith.constant 384 : i32
      %dma_start3A_115 = arith.constant 0 : i32
      %dma_start3A_116 = tpu.memref_slice %arg9[%dma_start3A_114, %dma_start3A_115] : memref<512x64xf32, #tpu.memory_space<vmem>> -> memref<128x64xf32, #tpu.memory_space<vmem>>
      %dma_start3A_117 = arith.constant 0 : i32
      %dma_start3A_118 = tpu.memref_slice %arg6[%add3A_113, %dma_start3A_117] : memref<200x128xi32, #tpu.memory_space<vmem>> -> memref<1x128xi32, #tpu.memory_space<vmem>>
      %dma_start3A_119 = tpu.memref_squeeze %dma_start3A_118 : memref<1x128xi32, #tpu.memory_space<vmem>> -> memref<128xi32, #tpu.memory_space<vmem>>
      %dma_start3A_120 = arith.constant 0 : i32
      %dma_start3A_121 = arith.constant 0 : i32
      %dma_start3A_122 = tpu.memref_slice %arg4[%dma_start3A_120, %dma_start3A_121] : memref<200000x64xf32, #tpu.memory_space<hbm>> -> memref<200000x64xf32, #tpu.memory_space<hbm>>
      tpu.enqueue_indirect_dma source(%dma_start3A_122 : memref<200000x64xf32, #tpu.memory_space<hbm>>) target(%dma_start3A_116 : memref<128x64xf32, #tpu.memory_space<vmem>>) offsets(%dma_start3A_119 : memref<128xi32, #tpu.memory_space<vmem>>) semaphore(%arg11 : memref<!tpu.dma_semaphore, #tpu.memory_space<semaphore_mem>>)
      %dma_wait3A_123 = arith.constant 0 : i32
      %dma_wait3A_124 = arith.constant 0 : i32
      %dma_wait3A_125 = tpu.memref_slice %arg5[%dma_wait3A_123, %dma_wait3A_124] : memref<819200x64xf32, #tpu.memory_space<hbm>> -> memref<512x64xf32, #tpu.memory_space<hbm>>
      %dma_wait3A_126 = arith.constant 0 : i32
      %dma_wait3A_127 = arith.constant 0 : i32
      %dma_wait3A_128 = tpu.memref_slice %arg5[%dma_wait3A_126, %dma_wait3A_127] : memref<819200x64xf32, #tpu.memory_space<hbm>> -> memref<512x64xf32, #tpu.memory_space<hbm>>
      tpu.wait_dma2 semaphore(%arg10 : memref<!tpu.dma_semaphore, #tpu.memory_space<semaphore_mem>>) src(%dma_wait3A_128 : memref<512x64xf32, #tpu.memory_space<hbm>>) dst(%arg8 : memref<512x64xf32, #tpu.memory_space<vmem>>)
      %mul3A_129 = arith.constant 512 : i32
      %mul3A_130 = arith.muli %mul3A_66, %mul3A_129 : i32
      %add3A_131 = arith.addi %mul3A_2, %mul3A_130 : i32
      %dma_start3A_132 = arith.constant 0 : i32
      %dma_start3A_133 = tpu.memref_slice %arg5[%add3A_131, %dma_start3A_132] : memref<819200x64xf32, #tpu.memory_space<hbm>> -> memref<512x64xf32, #tpu.memory_space<hbm>>
      %dma_start3A_134 = arith.constant 0 : i32
      %dma_start3A_135 = tpu.memref_slice %arg5[%add3A_131, %dma_start3A_134] : memref<819200x64xf32, #tpu.memory_space<hbm>> -> memref<512x64xf32, #tpu.memory_space<hbm>>
      tpu.enqueue_dma source(%arg8 : memref<512x64xf32, #tpu.memory_space<vmem>>) target(%dma_start3A_135 : memref<512x64xf32, #tpu.memory_space<hbm>>) target_semaphore(%arg12 : memref<!tpu.dma_semaphore, #tpu.memory_space<semaphore_mem>>)
      %dma_wait3A_136 = arith.constant 0 : i32
      %dma_wait3A_137 = arith.constant 0 : i32
      %dma_wait3A_138 = tpu.memref_slice %arg5[%dma_wait3A_136, %dma_wait3A_137] : memref<819200x64xf32, #tpu.memory_space<hbm>> -> memref<512x64xf32, #tpu.memory_space<hbm>>
      %dma_wait3A_139 = arith.constant 0 : i32
      %dma_wait3A_140 = arith.constant 0 : i32
      %dma_wait3A_141 = tpu.memref_slice %arg5[%dma_wait3A_139, %dma_wait3A_140] : memref<819200x64xf32, #tpu.memory_space<hbm>> -> memref<512x64xf32, #tpu.memory_space<hbm>>
      tpu.wait_dma2 semaphore(%arg11 : memref<!tpu.dma_semaphore, #tpu.memory_space<semaphore_mem>>) src(%dma_wait3A_141 : memref<512x64xf32, #tpu.memory_space<hbm>>) dst(%arg9 : memref<512x64xf32, #tpu.memory_space<vmem>>)
      %dma_wait3A_142 = arith.constant 0 : i32
      %dma_wait3A_143 = tpu.memref_slice %arg5[%add3A_131, %dma_wait3A_142] : memref<819200x64xf32, #tpu.memory_space<hbm>> -> memref<512x64xf32, #tpu.memory_space<hbm>>
      %dma_wait3A_144 = arith.constant 0 : i32
      %dma_wait3A_145 = tpu.memref_slice %arg5[%add3A_131, %dma_wait3A_144] : memref<819200x64xf32, #tpu.memory_space<hbm>> -> memref<512x64xf32, #tpu.memory_space<hbm>>
      tpu.wait_dma2 semaphore(%arg12 : memref<!tpu.dma_semaphore, #tpu.memory_space<semaphore_mem>>) src(%arg8 : memref<512x64xf32, #tpu.memory_space<vmem>>) dst(%dma_wait3A_145 : memref<512x64xf32, #tpu.memory_space<hbm>>)
      %lt3A = arith.constant 24 : i32
      %lt3A_146 = arith.cmpi slt, %add3A_64, %lt3A : i32
      %convert_element_type3A_147 = arith.extui %lt3A_146 : i1 to i32
      %cond3A_148 = arith.constant 0 : i32
      %cond3A_149 = arith.cmpi ne, %convert_element_type3A_147, %cond3A_148 : i32
      scf.if %cond3A_149 {
        %add3A_159 = arith.constant 2 : i32
        %add3A_160 = arith.addi %mul3A_66, %add3A_159 : i32
        %mul3A_161 = arith.constant 4 : i32
        %mul3A_162 = arith.muli %add3A_160, %mul3A_161 : i32
        %add3A_163 = arith.constant 0 : i32
        %add3A_164 = arith.addi %mul3A_162, %add3A_163 : i32
        %dma_start3A_165 = arith.constant 0 : i32
        %dma_start3A_166 = arith.constant 0 : i32
        %dma_start3A_167 = tpu.memref_slice %arg8[%dma_start3A_165, %dma_start3A_166] : memref<512x64xf32, #tpu.memory_space<vmem>> -> memref<128x64xf32, #tpu.memory_space<vmem>>
        %dma_start3A_168 = arith.constant 0 : i32
        %dma_start3A_169 = tpu.memref_slice %arg6[%add3A_164, %dma_start3A_168] : memref<200x128xi32, #tpu.memory_space<vmem>> -> memref<1x128xi32, #tpu.memory_space<vmem>>
        %dma_start3A_170 = tpu.memref_squeeze %dma_start3A_169 : memref<1x128xi32, #tpu.memory_space<vmem>> -> memref<128xi32, #tpu.memory_space<vmem>>
        %dma_start3A_171 = arith.constant 0 : i32
        %dma_start3A_172 = arith.constant 0 : i32
        %dma_start3A_173 = tpu.memref_slice %arg4[%dma_start3A_171, %dma_start3A_172] : memref<200000x64xf32, #tpu.memory_space<hbm>> -> memref<200000x64xf32, #tpu.memory_space<hbm>>
        tpu.enqueue_indirect_dma source(%dma_start3A_173 : memref<200000x64xf32, #tpu.memory_space<hbm>>) target(%dma_start3A_167 : memref<128x64xf32, #tpu.memory_space<vmem>>) offsets(%dma_start3A_170 : memref<128xi32, #tpu.memory_space<vmem>>) semaphore(%arg10 : memref<!tpu.dma_semaphore, #tpu.memory_space<semaphore_mem>>)
        %mul3A_174 = arith.constant 4 : i32
        %mul3A_175 = arith.muli %add3A_160, %mul3A_174 : i32
        %add3A_176 = arith.constant 1 : i32
        %add3A_177 = arith.addi %mul3A_175, %add3A_176 : i32
        %dma_start3A_178 = arith.constant 128 : i32
        %dma_start3A_179 = arith.constant 0 : i32
        %dma_start3A_180 = tpu.memref_slice %arg8[%dma_start3A_178, %dma_start3A_179] : memref<512x64xf32, #tpu.memory_space<vmem>> -> memref<128x64xf32, #tpu.memory_space<vmem>>
        %dma_start3A_181 = arith.constant 0 : i32
        %dma_start3A_182 = tpu.memref_slice %arg6[%add3A_177, %dma_start3A_181] : memref<200x128xi32, #tpu.memory_space<vmem>> -> memref<1x128xi32, #tpu.memory_space<vmem>>
        %dma_start3A_183 = tpu.memref_squeeze %dma_start3A_182 : memref<1x128xi32, #tpu.memory_space<vmem>> -> memref<128xi32, #tpu.memory_space<vmem>>
        %dma_start3A_184 = arith.constant 0 : i32
        %dma_start3A_185 = arith.constant 0 : i32
        %dma_start3A_186 = tpu.memref_slice %arg4[%dma_start3A_184, %dma_start3A_185] : memref<200000x64xf32, #tpu.memory_space<hbm>> -> memref<200000x64xf32, #tpu.memory_space<hbm>>
        tpu.enqueue_indirect_dma source(%dma_start3A_186 : memref<200000x64xf32, #tpu.memory_space<hbm>>) target(%dma_start3A_180 : memref<128x64xf32, #tpu.memory_space<vmem>>) offsets(%dma_start3A_183 : memref<128xi32, #tpu.memory_space<vmem>>) semaphore(%arg10 : memref<!tpu.dma_semaphore, #tpu.memory_space<semaphore_mem>>)
        %mul3A_187 = arith.constant 4 : i32
        %mul3A_188 = arith.muli %add3A_160, %mul3A_187 : i32
        %add3A_189 = arith.constant 2 : i32
        %add3A_190 = arith.addi %mul3A_188, %add3A_189 : i32
        %dma_start3A_191 = arith.constant 256 : i32
        %dma_start3A_192 = arith.constant 0 : i32
        %dma_start3A_193 = tpu.memref_slice %arg8[%dma_start3A_191, %dma_start3A_192] : memref<512x64xf32, #tpu.memory_space<vmem>> -> memref<128x64xf32, #tpu.memory_space<vmem>>
        %dma_start3A_194 = arith.constant 0 : i32
        %dma_start3A_195 = tpu.memref_slice %arg6[%add3A_190, %dma_start3A_194] : memref<200x128xi32, #tpu.memory_space<vmem>> -> memref<1x128xi32, #tpu.memory_space<vmem>>
        %dma_start3A_196 = tpu.memref_squeeze %dma_start3A_195 : memref<1x128xi32, #tpu.memory_space<vmem>> -> memref<128xi32, #tpu.memory_space<vmem>>
        %dma_start3A_197 = arith.constant 0 : i32
        %dma_start3A_198 = arith.constant 0 : i32
        %dma_start3A_199 = tpu.memref_slice %arg4[%dma_start3A_197, %dma_start3A_198] : memref<200000x64xf32, #tpu.memory_space<hbm>> -> memref<200000x64xf32, #tpu.memory_space<hbm>>
        tpu.enqueue_indirect_dma source(%dma_start3A_199 : memref<200000x64xf32, #tpu.memory_space<hbm>>) target(%dma_start3A_193 : memref<128x64xf32, #tpu.memory_space<vmem>>) offsets(%dma_start3A_196 : memref<128xi32, #tpu.memory_space<vmem>>) semaphore(%arg10 : memref<!tpu.dma_semaphore, #tpu.memory_space<semaphore_mem>>)
        %mul3A_200 = arith.constant 4 : i32
        %mul3A_201 = arith.muli %add3A_160, %mul3A_200 : i32
        %add3A_202 = arith.constant 3 : i32
        %add3A_203 = arith.addi %mul3A_201, %add3A_202 : i32
        %dma_start3A_204 = arith.constant 384 : i32
        %dma_start3A_205 = arith.constant 0 : i32
        %dma_start3A_206 = tpu.memref_slice %arg8[%dma_start3A_204, %dma_start3A_205] : memref<512x64xf32, #tpu.memory_space<vmem>> -> memref<128x64xf32, #tpu.memory_space<vmem>>
        %dma_start3A_207 = arith.constant 0 : i32
        %dma_start3A_208 = tpu.memref_slice %arg6[%add3A_203, %dma_start3A_207] : memref<200x128xi32, #tpu.memory_space<vmem>> -> memref<1x128xi32, #tpu.memory_space<vmem>>
        %dma_start3A_209 = tpu.memref_squeeze %dma_start3A_208 : memref<1x128xi32, #tpu.memory_space<vmem>> -> memref<128xi32, #tpu.memory_space<vmem>>
        %dma_start3A_210 = arith.constant 0 : i32
        %dma_start3A_211 = arith.constant 0 : i32
        %dma_start3A_212 = tpu.memref_slice %arg4[%dma_start3A_210, %dma_start3A_211] : memref<200000x64xf32, #tpu.memory_space<hbm>> -> memref<200000x64xf32, #tpu.memory_space<hbm>>
        tpu.enqueue_indirect_dma source(%dma_start3A_212 : memref<200000x64xf32, #tpu.memory_space<hbm>>) target(%dma_start3A_206 : memref<128x64xf32, #tpu.memory_space<vmem>>) offsets(%dma_start3A_209 : memref<128xi32, #tpu.memory_space<vmem>>) semaphore(%arg10 : memref<!tpu.dma_semaphore, #tpu.memory_space<semaphore_mem>>)
      } else {
      }
      %add3A_150 = arith.constant 1 : i32
      %add3A_151 = arith.addi %mul3A_66, %add3A_150 : i32
      %mul3A_152 = arith.constant 512 : i32
      %mul3A_153 = arith.muli %add3A_151, %mul3A_152 : i32
      %add3A_154 = arith.addi %mul3A_2, %mul3A_153 : i32
      %dma_start3A_155 = arith.constant 0 : i32
      %dma_start3A_156 = tpu.memref_slice %arg5[%add3A_154, %dma_start3A_155] : memref<819200x64xf32, #tpu.memory_space<hbm>> -> memref<512x64xf32, #tpu.memory_space<hbm>>
      %dma_start3A_157 = arith.constant 0 : i32
      %dma_start3A_158 = tpu.memref_slice %arg5[%add3A_154, %dma_start3A_157] : memref<819200x64xf32, #tpu.memory_space<hbm>> -> memref<512x64xf32, #tpu.memory_space<hbm>>
      tpu.enqueue_dma source(%arg9 : memref<512x64xf32, #tpu.memory_space<vmem>>) target(%dma_start3A_158 : memref<512x64xf32, #tpu.memory_space<hbm>>) target_semaphore(%arg13 : memref<!tpu.dma_semaphore, #tpu.memory_space<semaphore_mem>>)
    }
    %scan3A_54 = arith.constant 25 : i32
    %dma_wait3A = arith.constant 0 : i32
    %dma_wait3A_55 = arith.constant 0 : i32
    %dma_wait3A_56 = tpu.memref_slice %arg5[%dma_wait3A, %dma_wait3A_55] : memref<819200x64xf32, #tpu.memory_space<hbm>> -> memref<512x64xf32, #tpu.memory_space<hbm>>
    %dma_wait3A_57 = arith.constant 0 : i32
    %dma_wait3A_58 = arith.constant 0 : i32
    %dma_wait3A_59 = tpu.memref_slice %arg5[%dma_wait3A_57, %dma_wait3A_58] : memref<819200x64xf32, #tpu.memory_space<hbm>> -> memref<512x64xf32, #tpu.memory_space<hbm>>
    tpu.wait_dma2 semaphore(%arg13 : memref<!tpu.dma_semaphore, #tpu.memory_space<semaphore_mem>>) src(%arg9 : memref<512x64xf32, #tpu.memory_space<vmem>>) dst(%dma_wait3A_59 : memref<512x64xf32, #tpu.memory_space<hbm>>)
    return
  }
}

</mosaic_0001>

<sc_bundles>
// kernel: kernel.3.cloned.1.call-start
scs
__scs_entry_jumppad:
0x0: {  	(pc) =	sbr.rel $0x88, $3  }
0x1: {  	(tag) =	ssettag $0x0;
	lr =	simm.s32 $0x1  }
0x2: {  	[smem:$0x3F9E] =	sst lr;
	_ =	strace $0xD0000000  }
0x3: {  	_ = 	snop  }
0x4: {  	_ = 	snop  }
0x5: {  	_ = 	snop  }
0x6: {  	_ = 	snop  }
0x7: {  	_ = 	snop  }
__scs_overlays_trampoline_lowered:
0x8: {  	[smem:$0x3FAD] =	sst s0  }
0x9: {  	[smem:$0x3FAE] =	sst s1  }
0xa: {  	[smem:$0x3FAF] =	sst s2  }
0xb: {  	[smem:$0x3FB0] =	sst s3  }
0xc: {  	[smem:$0x3FB1] =	sst s4  }
0xd: {  	[smem:$0x3FB2] =	sst s5  }
0xe: {  	[smem:$0x3FB3] =	sst s6  }
0xf: {  	[smem:$0x3FB4] =	sst s7  }
0x10: {  	[smem:$0x3FB5] =	sst s8  }
0x11: {  	[smem:$0x3FB6] =	sst s9;
	s0 =	simm.s32 @!p0 $0x0  }
0x12: {  	s1 =	sld [smem:$0x3F9C];
	s0 =	simm.s32 @p0 $0x1  }
0x13: {  	[smem:$0x3FB7] =	sst s0;
	s0 =	simm.s32 @!p1 $0x0  }
0x14: {  	s2 =	sld [smem:$0x3F9B];
	s0 =	simm.s32 @p1 $0x1  }
0x15: {  	[smem:$0x3FB8] =	sst s0;
	s0 =	simm.s32 @!p2 $0x0  }
0x16: {  	s3 =	sld [smem:$0x3FDB];
	s0 =	simm.s32 @p2 $0x1  }
0x17: {  	s4 =	simm.s32 $0x1BF5;
	[smem:$0x3FBA] =	sst s0  }
0x18: {  	s0 =	sld [smem:$0x3F9D];
	_ =	swait.ge [sflag:s4], $0x0  }
0x19: {  	s7 =	sld [smem:$0x3F9E]  }
0x1a: {  	s8 =	sadd.s32 $0xFFFFE003, lr  }
0x1b: {  	s9 =	sadd.s32 $0xFFFFFEF7, lr;
	s5 =	simm.s32 $0xFFFFFFFF;
	p2 =	slt.u32 s8, $0xFFFFF086  }
0x1c: {  	p1 =	slt.u32 s9, $0xF7A;
	s5 =	simm.s32 @!p2 $0x0  }
0x1d: {  	s5 =	simm.s32 @p1 $0x1;
	p0 =	seq.s32 s7, s2  }
0x1e: {  	s7 =	smul.u32 @!p0 $0xF7A, s2;
	p2 =	seq.s32 @!p0 s5, $0x0  }
0x1f: {  	s9 =	smul.u32 $0xF7A, s1;
	s8 =	simm.s32 @!p0 $0x1BF5;
	p2 =	por !p2, p0  }
0x20: {  	[sflag:s8] =	ssyncset.s32 @!p0 $0xFFFFF086;
	s6 =	sadd.s32 @!p0 s3, s7;
	s7 =	simm.s32 @!p0 $0x108  }
0x21: {  	s3 =	sadd.s32 s3, s9;
	s6 =	sadd.s32 @!p0 $0x88, s6;
	s7 =	simm.s32 @p2 $0x1082  }
0x22: {  	[simem:s7], [sflag:s8] =	dma.local @!p0 [hbm:s6], $0xF7A  }
0x23: {  	s9 =	sor.u32 $0xD0000000, s2;
	s6 =	simm.s32 $0x108;
	_ =	swait.ge @!p0 [sflag:s8], $0x0  }
0x24: {  	s3 =	sadd.s32 $0x88, s3;
	s6 =	simm.s32 @!p1 $0x1082;
	[sflag:s4] =	ssyncset.s32 $0xFFFFF086  }
0x25: {  	[simem:s6], [sflag:s4] =	dma.local [hbm:s3], $0xF7A  }
0x26: {  	[smem:$0x3F9E] =	sst s1;
	(tag) =	ssettag s2;
	_ =	strace s9  }
0x27: {  	s1 =	sld [smem:$0x3FAE]  }
0x28: {  	s2 =	sld [smem:$0x3FAF]  }
0x29: {  	s4 =	sld [smem:$0x3FB1]  }
0x2a: {  	p0 =	seq.s32 s5, $0x0;
	s5 =	sld [smem:$0x3FB2]  }
0x2b: {  	s6 =	sld [smem:$0x3FB3]  }
0x2c: {  	s7 =	sld [smem:$0x3FB4]  }
0x2d: {  	s3 =	simm.s32 $0x108;
	s8 =	sld [smem:$0x3FB5]  }
0x2e: {  	s3 =	simm.s32 @!p0 $0x1082;
	s9 =	sld [smem:$0x3FB6]  }
0x2f: {  	lr =	sadd.s32 s0, s3;
	s0 =	sld [smem:$0x3FAD]  }
0x30: {  	s3 =	sld [smem:$0x3FB0]  }
0x31: {  	[smem:$0x3FB9] =	sst s10  }
0x32: {  	s10 =	sld [smem:$0x3FB7];
	_ =	sdelay $0x3  }
0x33: {  	p0 =	seq.s32 s10, $0x1;
	s10 =	sld [smem:$0x3FB9];
	_ =	sdelay $0x3  }
0x34: {  	[smem:$0x3FB9] =	sst s10  }
0x35: {  	s10 =	sld [smem:$0x3FB8];
	_ =	sdelay $0x3  }
0x36: {  	p1 =	seq.s32 s10, $0x1;
	s10 =	sld [smem:$0x3FB9];
	_ =	sdelay $0x3  }
0x37: {  	[smem:$0x3FB9] =	sst s10  }
0x38: {  	s10 =	sld [smem:$0x3FBA]  }
0x39: {  	_ = 	snop;
	(pc) =	sbr.ind lr, $3  }
0x3a: {  	_ = 	snop  }
0x3b: {  	_ = 	snop  }
0x3c: {  	p2 =	seq.s32 s10, $0x1;
	s10 =	sld [smem:$0x3FB9]  }
0x3d: {  	_ =	shalt  }
0x3e: {  	_ =	shalt  }
0x3f: {  	_ =	shalt  }
0x40: {  	_ =	shalt  }
0x41: {  	_ =	shalt  }
0x42: {  	_ =	shalt  }
0x43: {  	_ =	shalt  }
0x44: {  	_ =	shalt  }
0x45: {  	_ =	shalt  }
0x46: {  	_ =	shalt  }
0x47: {  	_ =	shalt  }
0x48: {  	_ =	shalt  }
0x49: {  	_ =	shalt  }
0x4a: {  	_ =	shalt  }
0x4b: {  	_ =	shalt  }
0x4c: {  	_ =	shalt  }
0x4d: {  	_ =	shalt  }
0x4e: {  	_ =	shalt  }
0x4f: {  	_ =	shalt  }
0x50: {  	_ =	shalt  }
0x51: {  	_ =	shalt  }
0x52: {  	_ =	shalt  }
0x53: {  	_ =	shalt  }
0x54: {  	_ =	shalt  }
0x55: {  	_ =	shalt  }
0x56: {  	_ =	shalt  }
0x57: {  	_ =	shalt  }
0x58: {  	_ =	shalt  }
0x59: {  	_ =	shalt  }
0x5a: {  	_ =	shalt  }
0x5b: {  	_ =	shalt  }
0x5c: {  	_ =	shalt  }
0x5d: {  	_ =	shalt  }
0x5e: {  	_ =	shalt  }
0x5f: {  	_ =	shalt  }
0x60: {  	_ =	shalt  }
0x61: {  	_ =	shalt  }
0x62: {  	_ =	shalt  }
0x63: {  	_ =	shalt  }
0x64: {  	_ =	shalt  }
0x65: {  	_ =	shalt  }
0x66: {  	_ =	shalt  }
0x67: {  	_ =	shalt  }
0x68: {  	_ =	shalt  }
0x69: {  	_ =	shalt  }
0x6a: {  	_ =	shalt  }
0x6b: {  	_ =	shalt  }
0x6c: {  	_ =	shalt  }
0x6d: {  	_ =	shalt  }
0x6e: {  	_ =	shalt  }
0x6f: {  	_ =	shalt  }
0x70: {  	_ =	shalt  }
0x71: {  	_ =	shalt  }
0x72: {  	_ =	shalt  }
0x73: {  	_ =	shalt  }
0x74: {  	_ =	shalt  }
0x75: {  	_ =	shalt  }
0x76: {  	_ =	shalt  }
0x77: {  	_ =	shalt  }
0x78: {  	_ =	shalt  }
0x79: {  	_ =	shalt  }
0x7a: {  	_ =	shalt  }
0x7b: {  	_ =	shalt  }
0x7c: {  	_ =	shalt  }
0x7d: {  	_ =	shalt  }
0x7e: {  	_ =	shalt  }
0x7f: {  	_ =	shalt  }
0x80: {  	_ =	shalt  }
0x81: {  	_ =	shalt  }
0x82: {  	_ =	shalt  }
0x83: {  	_ =	shalt  }
0x84: {  	_ =	shalt  }
0x85: {  	_ =	shalt  }
0x86: {  	_ =	shalt  }
0x87: {  	_ =	shalt  }
.Lfunc_end0:
.L_simem_size_0:
called_computation.2_lowered:
.L_overlay_start_0:
0x88: {  	s2 =	sld [smem:$0x3FD9]  }
0x89: {  	s3 =	sld [smem:$0x3FFE];
	_ =	sdelay $0x1  }
0x8a: {  	s1 =	srdreg.scid  }
0x8b: {  	s0 =	sand.u32 $0x1, s1  }
0x8c: {  	s17 =	sshll.u32 s0, $0xA;
	s2 =	sadd.s32 s3, s2  }
0x8d: {  	s2 =	sadd.s32 s2, s17  }
0x8e: {  	[smem:$0x3FC5] =	sst s2  }
0x8f: {  	_ = 	snop  }
0x90: {  	s2 =	sld [smem:$0x3FD0];
	(tm) =	ssettm $0x1  }
0x91: {  	s18 =	sld [smem:$0x3FFB];
	_ =	sdelay $0x3  }
0x92: {  	_ =	strace s18  }
0x93: {  	s3 =	sld [smem:$0x3FFC];
	_ =	sdelay $0x3  }
0x94: {  	_ =	strace s3  }
0x95: {  	s3 =	sld [smem:$0x3FFD];
	_ =	sdelay $0x3  }
0x96: {  	_ =	strace s3  }
0x97: {  	_ =	strace $0x8FFFFFFF  }
0x98: {  	s19 =	sld [smem:$0x3FDB];
	_ =	sdelay $0x1  }
0x99: {  	s4 =	simm.s32 $_scs_section_size  }
0x9a: {  	s5 =	simm.s32 $_size__tile_overlayer_lowered;
	s6 =	simm.s32 $_tile_overlayer_lowered  }
0x9b: {  	s22 =	simm.s32 $0x1BFF;
	s21 =	sshll.u32 s6, $0x1;
	s3 =	sadd.s32 s4, s19  }
0x9c: {  	s7 =	simm.s32 $0x0;
	s20 =	sshll.u32 s5, $0x1;
	s5 =	sadd.s32 s21, s3  }
0x9d: {  	[timem:s7], [sflag:s22] =	dma.local [hbm:s5], s20  }
0x9e: {  	_ =	swait.ge [sflag:s22], s20  }
0x9f: {  	s4 =	ssub.s32 $0x0, s20;
	[sflag:s22] =	ssyncset.done $0x0  }
0xa0: {  	[sflag:s22] =	ssyncadd.s32 s4;
	_ =	sdelay $0x1  }
0xa1: {  	s23 =	simm.s32 $0x1B8B  }
0xa2: {  	_ =	swait.ge [sflag:s23], $0x1  }
0xa3: {  	[sflag:s23] =	ssyncset.done $0x0  }
0xa4: {  	s25 =	simm.s32 $0x1B8E;
	s24 =	sld [smem:$0x3FFE];
	[sflag:s23] =	ssyncadd.s32 $0xFFFFFFFF  }
0xa5: {  	s26 =	simm.s32 $execute0_lowered;
	[smem:$0x3FD2] =	sst s25  }
0xa6: {  	s5 =	sshll.u32 s26, $0x1;
	_ =	strace $0x80000046;
	[dreg:$0x1] =	wrdreg $0xFFFFFFFF  }
0xa7: {  	s28 =	simm.s32 $_size_execute0_lowered;
	s3 =	sadd.s32 s3, s5;
	[dreg:$0x0] =	wrdreg $0x0  }
0xa8: {  	s5 =	sshll.u32 s28, $0x1;
	[dreg:$0x2] =	wrdreg s3  }
0xa9: {  	[dreg:$0x3] =	wrdreg s5  }
0xaa: {  	[dreg:$0x4] =	wrdreg $0xC0  }
0xab: {  	_ =	task [dreg:s7], $0x5FFFF  }
0xac: {  	[dreg:$0x1] =	wrdreg $0xFFFFFFFF  }
0xad: {  	[dreg:$0x0] =	wrdreg $0x60  }
0xae: {  	[dreg:$0x2] =	wrdreg s24  }
0xaf: {  	[dreg:$0x3] =	wrdreg s2  }
0xb0: {  	[dreg:$0x4] =	wrdreg $0x9  }
0xb1: {  	_ =	task.clear_ibuf [dreg:s7], $0x5FFFF;
	_ =	strace $0x90000046  }
0xb2: {  	s29 =	simm.s32 $0x9;
	_ =	strace $0x80000048  }
0xb3: {  	_ =	swait.ge [sflag:s29], $0x1  }
0xb4: {  	[sflag:s29] =	ssyncadd.s32 $0xFFFFFFFF  }
0xb5: {  	_ =	strace $0x90000048  }
0xb6: {  	_ =	sfence  }
0xb7: {  	s30 =	sld [smem:$0x0];
	_ =	sdelay $0x2  }
0xb8: {  	s31 =	sshll.u32 s1, $0xD;
	s1 =	sshrl.u32 s1, $0x2  }
0xb9: {  	s3 =	sand.u32 $0x4000, s31;
	s1 =	sadd.s32 s1, s30  }
0xba: {  	s0 =	sor.u32 s3, s0;
	s1 =	sshll.u32 s1, $0x11  }
0xbb: {  	s0 =	sor.u32 s1, s0  }
0xbc: {  	s0 =	sadd.s32 $0x8F2B, s0  }
0xbd: {  	[sflag:s0] =	ssyncadd.remote.s32 $0x1  }
0xbe: {  	_ =	sfence.sel $0xFFFF  }
0xbf: {  	[dreg:$0x0] =	wrdreg $0xFFFFFFFF;
	(pc) =	sbr.abs _section_cstart, $3  }
0xc0: {  	[dreg:$0x1] =	wrdreg $0xFFFFFFFF  }
0xc1: {  	_ =	task.clear_ibuf [dreg:s7], $0x2FFFF;
	_ =	strace $0x9FFFFFFF  }
0xc2: {  	(tm) =	ssettm $0x7FFFFFFF  }
0xc3: {  	_ =	shalt  }
tec
execute0_lowered:
.L_overlay_start_1:
0x0: {  	(tag) =	ssettag $0x1  }
0x1: {  	s0 =	srdreg.scid;
	s1 =	rddreg [dreg:$0x0]  }
0x2: {  	s8 =	stileid.u32;
	s2 =	rddreg [dreg:$0x1]  }
0x3: {  	s14 =	simm.s32 $0x5;
	s16 =	simm.s32 $0x80;
	s17 =	simm.s32 $0xC800  }
0x4: {  	s18 =	simm.s32 $0xE800;
	s20 =	simm.s32 $0x10800;
	s29 =	simm.s32 $0x18800  }
0x5: {  	s31 =	simm.s32 $0x1A800;
	s0 =	sand.u32 $0x1, s0;
	s3 =	sshll.u32 s8, $0x1  }
0x6: {  	s15 =	simm.s32 $0x3;
	s8 =	smul.u32 $0x320000, s8;
	s4 =	sor.u32 s0, s3  }
0x7: {  	s3 =	simm.s32 $0x0;
	s6 =	ssub.s32 $0x2, s0;
	s0 =	smul.u32 $0x190000, s0  }
0x8: {  	s28 =	simm.s32 $0x4;
	s5 =	smul.u32 $0xC80, s4;
	[smem:$0x7FF] =	sst s3  }
0x9: {  	s7 =	smul.u32 $0x190000, s4;
	s22 =	sshrl.u32 s6, $0x1;
	s4 =	sadd.s32 $0x32E00, s1  }
0xa: {  	_ =	strace $0x80000047;
	s23 =	ssub.s32 s6, s22;
	s0 =	sadd.s32 s0, s8  }
0xb: {  	s22 =	simm.s32 $0x12800;
	s9 =	sadd.s32 s5, s1;
	s26 =	sshrl.u32 s7, $0x3  }
0xc: {  	s7 =	smax.u32 s23, $0x1;
	s30 =	sadd.s32 $0x18000, s0;
	s12 =	sadd.s32 $0x10000, s0  }
0xd: {  	s0 =	simm.s32 $0x2;
	s24 =	sadd.s32 $0xE00, s9;
	s25 =	sadd.s32 $0x19E00, s9  }
0xe: {  	s8 =	sadd.s32 s2, s26;
	s1 =	sshrl.u32 s30, $0x3;
	[dreg:$0x3] =	wrdreg s24  }
0xf: {  	s26 =	simm.s32 $0x16800;
	[dreg:$0x4] =	wrdreg s25;
	s9 =	sadd.s32 $0x1000, s8  }
0x10: {  	s10 =	sadd.s32 $0x30000, s8;
	s11 =	sadd.s32 $0x31000, s8;
	s23 =	sadd.s32 s1, s2  }
0x11: {  	s24 =	simm.s32 $0x14800;
	s1 =	simm.s32 $0x1;
	s25 =	simm.s32 $0x0  }
.LBB2_1:
0x12: {  	s5 =	rddreg [dreg:$0x3]  }
0x13: {  	[tilespmem:s3], [sflag:$0x5] =	stream.linear.gather [hbm4b:s5+s3], $0x6400, $0x38;
	[tilespmem:$0x1C800] =	vst v63  }
0x14: {  	_ =	swait.ge [sflag:s14], $0x6400  }
0x15: {  	[sflag:s14] =	ssyncset.done $0x0  }
0x16: {  	s6 =	simm.s32 $0x6400;
	s21 =	rddreg [dreg:$0x4];
	[sflag:s14] =	ssyncadd.s32 $0xFFFF9C00  }
0x17: {  	[tilespmem:s6], [sflag:$0x5] =	stream.linear.gather [hbm4b:s21+s3], $0x6400, $0x38;
	[tilespmem:$0x1C800] =	vst v63  }
0x18: {  	_ =	swait.ge [sflag:s14], $0x6400  }
0x19: {  	[sflag:s14] =	ssyncset.done $0x0  }
0x1a: {  	s30 =	simm.s32 $0x0;
	[sflag:s14] =	ssyncadd.s32 $0xFFFF9C00  }
0x1b: {  	v6 =	vld [tilespmem:s30+$0x6400]  }
0x1c: {  	v11 =	vld [tilespmem:s30+$0x6410]  }
0x1d: {  	v5 =	vld [tilespmem:s30+$0x6420]  }
0x1e: {  	v4 =	vld [tilespmem:s30+$0x6430]  }
0x1f: {  	v3 =	vld [tilespmem:s30+$0x6440]  }
0x20: {  	v2 =	vld [tilespmem:s30+$0x6450]  }
0x21: {  	v1 =	vld [tilespmem:s30+$0x6460]  }
0x22: {  	v0 =	vld [tilespmem:s30+$0x6470]  }
0x23: {  	v10 =	vld [tilespmem:s30+$0x0]  }
0x24: {  	v9 =	vld [tilespmem:s30+$0x10]  }
0x25: {  	v8 =	vld [tilespmem:s30+$0x20]  }
0x26: {  	v7 =	vld [tilespmem:s30+$0x30];
	v12 =	vmul.u32 $0x186A0, v6  }
0x27: {  	s13 =	simm.s32 $0x200;
	v11 =	vmul.u32 $0x186A0, v11;
	v6 =	vld [tilespmem:s30+$0x40]  }
.LBB2_2:
0x28: {  	p0 =	sne.s32 s13, $0x18E00;
	v10 =	vadd.s32 v10, v12;
	v5 =	vmul.u32 $0x186A0, v5;
	v12 =	vld [tilespmem:s30+$0x50]  }
0x29: {  	v4 =	vmul.u32 $0x186A0, v4;
	[tilespmem:s30+$0x0] =	vst v10;
	v9 =	vadd.s32 v9, v11;
	v10 =	vld [tilespmem:s30+$0x60]  }
0x2a: {  	s19 =	sshra.s32 s13, $0x2;
	v3 =	vmul.u32 $0x186A0, v3;
	[tilespmem:s30+$0x10] =	vst v9;
	v5 =	vadd.s32 v8, v5;
	v8 =	vld [tilespmem:s30+$0x70]  }
0x2b: {  	v2 =	vmul.u32 $0x186A0, v2;
	v11 =	vld [tilespmem:s19+$0x6400];
	[tilespmem:s30+$0x20] =	vst v5;
	v4 =	vadd.s32 v7, v4  }
0x2c: {  	v1 =	vmul.u32 $0x186A0, v1;
	v13 =	vld [tilespmem:s19+$0x6410];
	[tilespmem:s30+$0x30] =	vst v4;
	v3 =	vadd.s32 v6, v3  }
0x2d: {  	v0 =	vmul.u32 $0x186A0, v0;
	v5 =	vld [tilespmem:s19+$0x6420];
	[tilespmem:s30+$0x40] =	vst v3;
	v2 =	vadd.s32 v12, v2  }
0x2e: {  	v4 =	vld [tilespmem:s19+$0x6430];
	[tilespmem:s30+$0x50] =	vst v2;
	v1 =	vadd.s32 v10, v1  }
0x2f: {  	v3 =	vld [tilespmem:s19+$0x6440];
	[tilespmem:s30+$0x60] =	vst v1;
	v0 =	vadd.s32 v8, v0  }
0x30: {  	v2 =	vld [tilespmem:s19+$0x6450];
	[tilespmem:s30+$0x70] =	vst v0;
	s30 =	smov.u32 s19  }
0x31: {  	v1 =	vld [tilespmem:s30+$0x6460]  }
0x32: {  	v0 =	vld [tilespmem:s30+$0x6470]  }
.Ltmp0:
0x33: {  	v10 =	vld [tilespmem:s30+$0x0];
	(pc) =	sbr.rel @p0 .LBB2_2-.Ltmp0, $4  }
0x34: {  	v9 =	vld [tilespmem:s30+$0x10]  }
0x35: {  	v8 =	vld [tilespmem:s30+$0x20]  }
0x36: {  	v12 =	vmul.u32 $0x186A0, v11;
	v7 =	vld [tilespmem:s30+$0x30]  }
0x37: {  	s13 =	sadd.s32 $0x200, s13;
	v11 =	vmul.u32 $0x186A0, v13;
	v6 =	vld [tilespmem:s30+$0x40]  }
0x38: {  	v10 =	vadd.s32 v10, v12;
	v61 =	vld [tilespmem:s30+$0x50];
	v5 =	vmul.u32 $0x186A0, v5  }
0x39: {  	v62 =	vld [tilespmem:s30+$0x60];
	v4 =	vmul.u32 $0x186A0, v4;
	[tilespmem:s30+$0x0] =	vst v10;
	v9 =	vadd.s32 v9, v11  }
0x3a: {  	v3 =	vmul.u32 $0x186A0, v3;
	v63 =	vld [tilespmem:s30+$0x70];
	[tilespmem:s30+$0x10] =	vst v9;
	v5 =	vadd.s32 v8, v5  }
0x3b: {  	v2 =	vmul.u32 $0x186A0, v2;
	[tilespmem:s30+$0x20] =	vst v5;
	v4 =	vadd.s32 v7, v4  }
0x3c: {  	v1 =	vmul.u32 $0x186A0, v1;
	[tilespmem:s30+$0x30] =	vst v4;
	v3 =	vadd.s32 v6, v3  }
0x3d: {  	v0 =	vmul.u32 $0x186A0, v0;
	[tilespmem:s30+$0x40] =	vst v3;
	v2 =	vadd.s32 v61, v2  }
0x3e: {  	v1 =	vadd.s32 v62, v1;
	[tilespmem:s30+$0x50] =	vst v2  }
0x3f: {  	v0 =	vadd.s32 v63, v0;
	[tilespmem:s30+$0x60] =	vst v1  }
0x40: {  	s13 =	simm.s32 $0x0;
	[tilespmem:s30+$0x70] =	vst v0  }
0x41: {  	[tilespmem:s17], [sflag:$0x1] =	stream.indirect.gather [hbm4b:s4+s16], $0x40, s13, s16, $0xb8;
	[tilespmem:$0x1C800] =	vst v63  }
0x42: {  	_ = 	snop  }
0x43: {  	[tilespmem:s18], [sflag:$0x1] =	stream.indirect.gather [hbm4b:s4+s16], $0x40, s16, s16, $0xb8;
	[tilespmem:$0x1C800] =	vst v63  }
0x44: {  	s5 =	simm.s32 $0x100  }
0x45: {  	[tilespmem:s20], [sflag:$0x1] =	stream.indirect.gather [hbm4b:s4+s16], $0x40, s5, s16, $0xb8;
	[tilespmem:$0x1C800] =	vst v63  }
0x46: {  	s21 =	simm.s32 $0x180  }
0x47: {  	[tilespmem:s22], [sflag:$0x1] =	stream.indirect.gather [hbm4b:s4+s16], $0x40, s21, s16, $0xb8;
	[tilespmem:$0x1C800] =	vst v63  }
0x48: {  	s6 =	simm.s32 $0x200  }
0x49: {  	[tilespmem:s24], [sflag:$0x2] =	stream.indirect.gather [hbm4b:s4+s16], $0x40, s6, s16, $0xb8;
	[tilespmem:$0x1C800] =	vst v63  }
0x4a: {  	s19 =	simm.s32 $0x280  }
0x4b: {  	[tilespmem:s26], [sflag:$0x2] =	stream.indirect.gather [hbm4b:s4+s16], $0x40, s19, s16, $0xb8;
	[tilespmem:$0x1C800] =	vst v63  }
0x4c: {  	s21 =	simm.s32 $0x300  }
0x4d: {  	[tilespmem:s29], [sflag:$0x2] =	stream.indirect.gather [hbm4b:s4+s16], $0x40, s21, s16, $0xb8;
	[tilespmem:$0x1C800] =	vst v63  }
0x4e: {  	s6 =	simm.s32 $0x380  }
0x4f: {  	[tilespmem:s31], [sflag:$0x2] =	stream.indirect.gather [hbm4b:s4+s16], $0x40, s6, s16, $0xb8;
	[tilespmem:$0x1C800] =	vst v63  }
0x50: {  	_ =	swait.ge [sflag:s1], $0x8000  }
0x51: {  	[sflag:s1] =	ssyncset.done $0x0  }
0x52: {  	[sflag:s1] =	ssyncadd.s32 $0xFFFF8000  }
0x53: {  	[hbm4b:s8+s13] =	stream.linear.scatter [tilespmem:s17], [sflag:$0x3], $0x8000, $0x38;
	[tilespmem:$0x1C800] =	vst v63  }
0x54: {  	_ =	swait.ge [sflag:s0], $0x8000  }
0x55: {  	[sflag:s0] =	ssyncset.done $0x0  }
0x56: {  	[sflag:s0] =	ssyncadd.s32 $0xFFFF8000  }
0x57: {  	_ =	swait.ge [sflag:s15], $0x8000  }
0x58: {  	[sflag:s15] =	ssyncset.done $0x0  }
0x59: {  	s19 =	simm.s32 $0x400;
	[sflag:s15] =	ssyncadd.s32 $0xFFFF8000  }
0x5a: {  	[tilespmem:s17], [sflag:$0x1] =	stream.indirect.gather [hbm4b:s4+s16], $0x40, s19, s16, $0xb8;
	[tilespmem:$0x1C800] =	vst v63  }
0x5b: {  	s21 =	simm.s32 $0x480  }
0x5c: {  	[tilespmem:s18], [sflag:$0x1] =	stream.indirect.gather [hbm4b:s4+s16], $0x40, s21, s16, $0xb8;
	[tilespmem:$0x1C800] =	vst v63  }
0x5d: {  	s6 =	simm.s32 $0x500  }
0x5e: {  	[tilespmem:s20], [sflag:$0x1] =	stream.indirect.gather [hbm4b:s4+s16], $0x40, s6, s16, $0xb8;
	[tilespmem:$0x1C800] =	vst v63  }
0x5f: {  	s19 =	simm.s32 $0x580  }
0x60: {  	[tilespmem:s22], [sflag:$0x1] =	stream.indirect.gather [hbm4b:s4+s16], $0x40, s19, s16, $0xb8;
	[tilespmem:$0x1C800] =	vst v63  }
0x61: {  	_ = 	snop  }
0x62: {  	[hbm4b:s9+s13] =	stream.linear.scatter [tilespmem:s24], [sflag:$0x4], $0x8000, $0x38;
	[tilespmem:$0x1C800] =	vst v63  }
0x63: {  	_ =	swait.ge [sflag:s28], $0x8000  }
0x64: {  	[sflag:s28] =	ssyncset.done $0x0  }
0x65: {  	s21 =	simm.s32 $0x600;
	[sflag:s28] =	ssyncadd.s32 $0xFFFF8000  }
0x66: {  	[tilespmem:s24], [sflag:$0x2] =	stream.indirect.gather [hbm4b:s4+s16], $0x40, s21, s16, $0xb8;
	[tilespmem:$0x1C800] =	vst v63  }
0x67: {  	s5 =	simm.s32 $0x680  }
0x68: {  	[tilespmem:s26], [sflag:$0x2] =	stream.indirect.gather [hbm4b:s4+s16], $0x40, s5, s16, $0xb8;
	[tilespmem:$0x1C800] =	vst v63  }
0x69: {  	s6 =	simm.s32 $0x700  }
0x6a: {  	[tilespmem:s29], [sflag:$0x2] =	stream.indirect.gather [hbm4b:s4+s16], $0x40, s6, s16, $0xb8;
	[tilespmem:$0x1C800] =	vst v63  }
0x6b: {  	s19 =	simm.s32 $0x780  }
0x6c: {  	[tilespmem:s31], [sflag:$0x2] =	stream.indirect.gather [hbm4b:s4+s16], $0x40, s19, s16, $0xb8;
	[tilespmem:$0x1C800] =	vst v63  }
0x6d: {  	_ =	swait.ge [sflag:s1], $0x8000  }
0x6e: {  	s21 =	sshrl.u32 s12, $0x3;
	[sflag:s1] =	ssyncset.done $0x0  }
0x6f: {  	s13 =	sadd.s32 s2, s21;
	[sflag:s1] =	ssyncadd.s32 $0xFFFF8000  }
0x70: {  	[hbm4b:s13+s3] =	stream.linear.scatter [tilespmem:s17], [sflag:$0x3], $0x8000, $0x38;
	[tilespmem:$0x1C800] =	vst v63  }
0x71: {  	_ =	swait.ge [sflag:s0], $0x8000  }
0x72: {  	[sflag:s0] =	ssyncset.done $0x0  }
0x73: {  	[sflag:s0] =	ssyncadd.s32 $0xFFFF8000  }
0x74: {  	_ =	swait.ge [sflag:s15], $0x8000  }
0x75: {  	[sflag:s15] =	ssyncset.done $0x0  }
0x76: {  	s5 =	simm.s32 $0x800;
	[sflag:s15] =	ssyncadd.s32 $0xFFFF8000  }
0x77: {  	[tilespmem:s17], [sflag:$0x1] =	stream.indirect.gather [hbm4b:s4+s16], $0x40, s5, s16, $0xb8;
	[tilespmem:$0x1C800] =	vst v63  }
0x78: {  	s6 =	simm.s32 $0x880  }
0x79: {  	[tilespmem:s18], [sflag:$0x1] =	stream.indirect.gather [hbm4b:s4+s16], $0x40, s6, s16, $0xb8;
	[tilespmem:$0x1C800] =	vst v63  }
0x7a: {  	s19 =	simm.s32 $0x900  }
0x7b: {  	[tilespmem:s20], [sflag:$0x1] =	stream.indirect.gather [hbm4b:s4+s16], $0x40, s19, s16, $0xb8;
	[tilespmem:$0x1C800] =	vst v63  }
0x7c: {  	s30 =	simm.s32 $0x1000;
	s21 =	simm.s32 $0x980  }
0x7d: {  	[tilespmem:s22], [sflag:$0x1] =	stream.indirect.gather [hbm4b:s4+s16], $0x40, s21, s16, $0xb8;
	[tilespmem:$0x1C800] =	vst v63  }
0x7e: {  	s13 =	smov.u32 s23;
	s19 =	sadd.s32 $0x10000, s12;
	s21 =	sadd.s32 $0x2000, s23  }
.LBB2_4:
0x7f: {  	[hbm4b:s13+s3] =	stream.linear.scatter [tilespmem:s24], [sflag:$0x4], $0x8000, $0x38;
	[tilespmem:$0x1C800] =	vst v63  }
0x80: {  	s5 =	smov.u32 s30;
	s13 =	smov.u32 s21  }
0x81: {  	p0 =	sne.s32 s30, $0x16000;
	s30 =	sadd.s32 $0x1000, s30;
	_ =	swait.ge [sflag:s28], $0x8000  }
0x82: {  	s5 =	sshra.s32 s5, $0x2;
	[sflag:s28] =	ssyncset.done $0x0  }
0x83: {  	s6 =	sadd.s32 $0x600, s5;
	[sflag:s28] =	ssyncadd.s32 $0xFFFF8000  }
0x84: {  	[tilespmem:s24], [sflag:$0x2] =	stream.indirect.gather [hbm4b:s4+s16], $0x40, s6, s16, $0xb8;
	[tilespmem:$0x1C800] =	vst v63  }
0x85: {  	s6 =	sadd.s32 $0x680, s5  }
0x86: {  	[tilespmem:s26], [sflag:$0x2] =	stream.indirect.gather [hbm4b:s4+s16], $0x40, s6, s16, $0xb8;
	[tilespmem:$0x1C800] =	vst v63  }
0x87: {  	s6 =	sadd.s32 $0x700, s5  }
0x88: {  	[tilespmem:s29], [sflag:$0x2] =	stream.indirect.gather [hbm4b:s4+s16], $0x40, s6, s16, $0xb8;
	[tilespmem:$0x1C800] =	vst v63  }
0x89: {  	s6 =	sadd.s32 $0x780, s5  }
0x8a: {  	[tilespmem:s31], [sflag:$0x2] =	stream.indirect.gather [hbm4b:s4+s16], $0x40, s6, s16, $0xb8;
	[tilespmem:$0x1C800] =	vst v63  }
0x8b: {  	_ =	swait.ge [sflag:s1], $0x8000  }
0x8c: {  	s6 =	sshrl.u32 s19, $0x3;
	[sflag:s1] =	ssyncset.done $0x0  }
0x8d: {  	s6 =	sadd.s32 s2, s6;
	[sflag:s1] =	ssyncadd.s32 $0xFFFF8000  }
0x8e: {  	[hbm4b:s6+s3] =	stream.linear.scatter [tilespmem:s17], [sflag:$0x3], $0x8000, $0x38;
	[tilespmem:$0x1C800] =	vst v63  }
0x8f: {  	_ =	swait.ge [sflag:s0], $0x8000  }
0x90: {  	[sflag:s0] =	ssyncset.done $0x0  }
0x91: {  	[sflag:s0] =	ssyncadd.s32 $0xFFFF8000  }
0x92: {  	_ =	swait.ge [sflag:s15], $0x8000  }
0x93: {  	[sflag:s15] =	ssyncset.done $0x0  }
0x94: {  	s6 =	sadd.s32 $0x800, s5;
	[sflag:s15] =	ssyncadd.s32 $0xFFFF8000  }
0x95: {  	[tilespmem:s17], [sflag:$0x1] =	stream.indirect.gather [hbm4b:s4+s16], $0x40, s6, s16, $0xb8;
	[tilespmem:$0x1C800] =	vst v63  }
0x96: {  	s6 =	sadd.s32 $0x880, s5  }
0x97: {  	[tilespmem:s18], [sflag:$0x1] =	stream.indirect.gather [hbm4b:s4+s16], $0x40, s6, s16, $0xb8;
	[tilespmem:$0x1C800] =	vst v63  }
.Ltmp1:
0x98: {  	s6 =	sadd.s32 $0x900, s5;
	(pc) =	sbr.rel @p0 .LBB2_4-.Ltmp1, $4  }
0x99: {  	[tilespmem:s20], [sflag:$0x1] =	stream.indirect.gather [hbm4b:s4+s16], $0x40, s6, s16, $0xb8;
	[tilespmem:$0x1C800] =	vst v63  }
0x9a: {  	s5 =	sadd.s32 $0x980, s5  }
0x9b: {  	[tilespmem:s22], [sflag:$0x1] =	stream.indirect.gather [hbm4b:s4+s16], $0x40, s5, s16, $0xb8;
	[tilespmem:$0x1C800] =	vst v63  }
0x9c: {  	s21 =	sadd.s32 $0x2000, s21;
	s19 =	sadd.s32 $0x10000, s19  }
0x9d: {  	[hbm4b:s13+s3] =	stream.linear.scatter [tilespmem:s24], [sflag:$0x4], $0x8000, $0x38;
	[tilespmem:$0x1C800] =	vst v63  }
0x9e: {  	_ =	swait.ge [sflag:s28], $0x8000  }
0x9f: {  	[sflag:s28] =	ssyncset.done $0x0  }
0xa0: {  	s5 =	simm.s32 $0x6200;
	[sflag:s28] =	ssyncadd.s32 $0xFFFF8000  }
0xa1: {  	[tilespmem:s24], [sflag:$0x2] =	stream.indirect.gather [hbm4b:s4+s16], $0x40, s5, s16, $0xb8;
	[tilespmem:$0x1C800] =	vst v63  }
0xa2: {  	s19 =	simm.s32 $0x6280  }
0xa3: {  	[tilespmem:s26], [sflag:$0x2] =	stream.indirect.gather [hbm4b:s4+s16], $0x40, s19, s16, $0xb8;
	[tilespmem:$0x1C800] =	vst v63  }
0xa4: {  	s21 =	simm.s32 $0x6300  }
0xa5: {  	[tilespmem:s29], [sflag:$0x2] =	stream.indirect.gather [hbm4b:s4+s16], $0x40, s21, s16, $0xb8;
	[tilespmem:$0x1C800] =	vst v63  }
0xa6: {  	s30 =	simm.s32 $0x6380  }
0xa7: {  	[tilespmem:s31], [sflag:$0x2] =	stream.indirect.gather [hbm4b:s4+s16], $0x40, s30, s16, $0xb8;
	[tilespmem:$0x1C800] =	vst v63  }
0xa8: {  	_ =	swait.ge [sflag:s1], $0x8000  }
0xa9: {  	[sflag:s1] =	ssyncset.done $0x0  }
0xaa: {  	[sflag:s1] =	ssyncadd.s32 $0xFFFF8000  }
0xab: {  	[hbm4b:s10+s3] =	stream.linear.scatter [tilespmem:s17], [sflag:$0x3], $0x8000, $0x38;
	[tilespmem:$0x1C800] =	vst v63  }
0xac: {  	_ =	swait.ge [sflag:s0], $0x8000  }
0xad: {  	[sflag:s0] =	ssyncset.done $0x0  }
0xae: {  	[sflag:s0] =	ssyncadd.s32 $0xFFFF8000  }
0xaf: {  	s25 =	sadd.s32 $0x1, s25;
	_ =	swait.ge [sflag:s15], $0x8000  }
0xb0: {  	p0 =	sne.s32 s25, s7;
	[sflag:s15] =	ssyncset.done $0x0  }
.Ltmp2:
0xb1: {  	[sflag:s15] =	ssyncadd.s32 $0xFFFF8000;
	(pc) =	sbr.rel @p0 .LBB2_1-.Ltmp2, $4  }
0xb2: {  	[hbm4b:s11+s3] =	stream.linear.scatter [tilespmem:s24], [sflag:$0x4], $0x8000, $0x38;
	[tilespmem:$0x1C800] =	vst v63  }
0xb3: {  	_ =	swait.ge [sflag:s28], $0x8000  }
0xb4: {  	[sflag:s28] =	ssyncset.done $0x0  }
0xb5: {  	[sflag:s28] =	ssyncadd.s32 $0xFFFF8000  }
0xb6: {  	_ =	sfence.sel $0x180000  }
0xb7: {  	[bflag:$0x0] =	sbarrier.arrive $0xFFFF  }
0xb8: {  	_ =	strace $0x90000047  }
0xb9: {  	s0 =	stileid.u32;
	[bflag:$0x2] =	sbarrier.arrive $0xFFFF  }
0xba: {  	p0 =	sne.s32 s0, $0x0;
	s0 =	rddreg [dreg:$0x2]  }
0xbb: {  	s0 =	sadd.s32 @!p0 $0x100000, s0  }
0xbc: {  	[sflag:s0] =	ssyncadd.tile.s32 @!p0 $0x1;
	_ =	shalt  }
.Lfunc_end2:
_tile_overlayer_lowered:
.L_overlay_start_2:
0xbd: {  	(tag) =	ssettag $0x2  }
0xbe: {  	s0 =	rddreg [dreg:$0x0];
	s2 =	stileid.u32  }
0xbf: {  	s1 =	rddreg [dreg:$0x1];
	p0 =	sne.s32 s2, $0x0  }
0xc0: {  	s3 =	rddreg [dreg:$0x2];
	[bflag:$0x3] =	sbarrier.arrive $0xFFFF;
	s2 =	simm.s32 @!p0 $0x1C05  }
0xc1: {  	[timem:s3], [sflag:s2] =	dma.local @!p0 [hbm:s0], s1  }
0xc2: {  	s0 =	simm.s32 @!p0 $0x5  }
0xc3: {  	_ =	swait.ge @!p0 [sflag:s0], s1  }
0xc4: {  	s1 =	ssub.s32 @!p0 $0x0, s1;
	[sflag:s0] =	ssyncset.done @!p0 $0x0  }
0xc5: {  	[sflag:s0] =	ssyncadd.s32 @!p0 s1  }
0xc6: {  	[bflag:$0x3] =	sbarrier.arrive $0xFFFF  }
0xc7: {  	_ =	shalt  }

// kernel: sparse-core-data-format-call.1.cloned.1.call-start
scs
called_computation.1_lowered:
.L_overlay_start_0:
0x0: {  	s1 =	sld [smem:$0x3FD9]  }
0x1: {  	s2 =	sld [smem:$0x3FFE];
	_ =	sdelay $0x1  }
0x2: {  	s3 =	srdreg.scid  }
0x3: {  	s0 =	sand.u32 $0x1, s3  }
0x4: {  	s17 =	sshll.u32 s0, $0xA;
	s1 =	sadd.s32 s2, s1  }
0x5: {  	s1 =	sadd.s32 s1, s17  }
0x6: {  	[smem:$0x3FC5] =	sst s1  }
0x7: {  	_ = 	snop  }
0x8: {  	(tm) =	ssettm $0x1  }
0x9: {  	s18 =	sld [smem:$0x3FFB];
	_ =	sdelay $0x3  }
0xa: {  	_ =	strace s18  }
0xb: {  	s1 =	sld [smem:$0x3FFC];
	_ =	sdelay $0x3  }
0xc: {  	_ =	strace s1  }
0xd: {  	s1 =	sld [smem:$0x3FFD];
	_ =	sdelay $0x3  }
0xe: {  	_ =	strace s1  }
0xf: {  	_ =	strace $0x8FFFFFFF  }
0x10: {  	s19 =	sld [smem:$0x3FDB];
	_ =	sdelay $0x1  }
0x11: {  	s20 =	simm.s32 $_scs_section_size  }
0x12: {  	s4 =	simm.s32 $_size__tile_overlayer_lowered;
	s5 =	simm.s32 $_tile_overlayer_lowered  }
0x13: {  	s23 =	simm.s32 $0x1BFF;
	s22 =	sshll.u32 s5, $0x1;
	s1 =	sadd.s32 s20, s19  }
0x14: {  	s6 =	simm.s32 $0x0;
	s21 =	sshll.u32 s4, $0x1;
	s4 =	sadd.s32 s22, s1  }
0x15: {  	[timem:s6], [sflag:s23] =	dma.local [hbm:s4], s21  }
0x16: {  	_ =	swait.ge [sflag:s23], s21  }
0x17: {  	s2 =	ssub.s32 $0x0, s21;
	[sflag:s23] =	ssyncset.done $0x0  }
0x18: {  	[sflag:s23] =	ssyncadd.s32 s2;
	_ =	sdelay $0x1  }
0x19: {  	s24 =	simm.s32 $0x1B8B  }
0x1a: {  	_ =	swait.ge [sflag:s24], $0x1  }
0x1b: {  	[sflag:s24] =	ssyncset.done $0x0  }
0x1c: {  	s26 =	simm.s32 $0x1B8E;
	s25 =	sld [smem:$0x3FFE];
	[sflag:s24] =	ssyncadd.s32 $0xFFFFFFFF  }
0x1d: {  	s27 =	simm.s32 $execute0_lowered;
	[smem:$0x3FD2] =	sst s26  }
0x1e: {  	s4 =	sshll.u32 s27, $0x1;
	_ =	strace $0x80000049;
	[dreg:$0x1] =	wrdreg $0xFFFFFFFF  }
0x1f: {  	s28 =	simm.s32 $_size_execute0_lowered;
	s1 =	sadd.s32 s1, s4;
	[dreg:$0x0] =	wrdreg $0x0  }
0x20: {  	s4 =	sshll.u32 s28, $0x1;
	[dreg:$0x2] =	wrdreg s1  }
0x21: {  	[dreg:$0x3] =	wrdreg s4  }
0x22: {  	[dreg:$0x4] =	wrdreg $0xC0  }
0x23: {  	_ =	task [dreg:s6], $0x5FFFF  }
0x24: {  	[dreg:$0x1] =	wrdreg $0xFFFFFFFF  }
0x25: {  	[dreg:$0x0] =	wrdreg $0x60  }
0x26: {  	[dreg:$0x2] =	wrdreg s25  }
0x27: {  	[dreg:$0x3] =	wrdreg $0xA  }
0x28: {  	_ =	task.clear_ibuf [dreg:s6], $0x4FFFF;
	_ =	strace $0x90000049  }
0x29: {  	s29 =	simm.s32 $0xA;
	_ =	strace $0x8000004B  }
0x2a: {  	_ =	swait.ge [sflag:s29], $0x1  }
0x2b: {  	[sflag:s29] =	ssyncadd.s32 $0xFFFFFFFF  }
0x2c: {  	_ =	strace $0x9000004B  }
0x2d: {  	_ =	sfence  }
0x2e: {  	s30 =	sld [smem:$0x0];
	_ =	sdelay $0x2  }
0x2f: {  	s31 =	sshll.u32 s3, $0xD;
	s3 =	sshrl.u32 s3, $0x2  }
0x30: {  	s2 =	sand.u32 $0x4000, s31;
	s1 =	sadd.s32 s3, s30  }
0x31: {  	s0 =	sor.u32 s2, s0;
	s1 =	sshll.u32 s1, $0x11  }
0x32: {  	s0 =	sor.u32 s1, s0  }
0x33: {  	s0 =	sadd.s32 $0x8F2B, s0  }
0x34: {  	[sflag:s0] =	ssyncadd.remote.s32 $0x1  }
0x35: {  	_ =	sfence.sel $0xFFFF  }
0x36: {  	[dreg:$0x0] =	wrdreg $0xFFFFFFFF;
	(pc) =	sbr.abs _section_cstart, $3  }
0x37: {  	[dreg:$0x1] =	wrdreg $0xFFFFFFFF  }
0x38: {  	_ =	task.clear_ibuf [dreg:s6], $0x2FFFF;
	_ =	strace $0x9FFFFFFF  }
0x39: {  	(tm) =	ssettm $0x7FFFFFFF  }
tec
execute0_lowered:
.L_overlay_start_1:
0x0: {  	(tag) =	ssettag $0x1  }
0x1: {  	s7 =	rddreg [dreg:$0x0]  }
0x2: {  	s0 =	stileid.u32;
	s1 =	rddreg [dreg:$0x1]  }
0x3: {  	s3 =	srdreg.scid;
	_ =	strace $0x8000004A;
	s31 =	simm.s32 $0x2  }
0x4: {  	s13 =	simm.s32 $0x0;
	s14 =	simm.s32 $0x0;
	s2 =	sshll.u32 s0, $0x7  }
0x5: {  	s12 =	simm.s32 $0x0;
	s3 =	sand.u32 $0x1, s3;
	s4 =	ssub.s32 $0x800, s2  }
0x6: {  	s6 =	ssub.s32 $0xC8, s3;
	s10 =	smov.u32 s3;
	s5 =	sand.u32 $0x780, s4  }
0x7: {  	s8 =	sshrl.u32 s4, $0xB;
	p0 =	sne.s32 s5, $0x0;
	s5 =	simm.s32 $0x1  }
.Ltmp0:
0x8: {  	s9 =	sshrl.u32 s6, $0x1;
	s5 =	simm.s32 @!p0 $0x0;
	(pc) =	sbr.rel .LBB1_1-.Ltmp0, $4  }
0x9: {  	s4 =	simm.s32 $0x1;
	s6 =	ssub.s32 s6, s9;
	s5 =	sadd.s32 s5, s8  }
0xa: {  	s11 =	smov.u32 s2;
	[sflag:s4] =	ssyncpa.u1 $0x0;
	s5 =	smul.u32 s6, s5  }
0xb: {  	s9 =	simm.s32 $0x4000;
	[sflag:s31] =	ssyncpa.u1 $0x0;
	p0 =	por $0x0, $0x0  }
0xc: {  	s6 =	sadd.s32 $0xC80E00, s7;
	s7 =	sadd.s32 $0xE00, s7;
	s8 =	sadd.s32 $0x1, s5  }
.LBB1_4:
0xd: {  	s17 =	sshll.u32 s14, $0x3;
	s18 =	sand.u32 $0x78, s14  }
0xe: {  	s30 =	sand.u32 $0x3F00, s14;
	s13 =	sshll.u32 s13, $0xE;
	s17 =	sand.u32 $0x400, s17  }
0xf: {  	[tilespmem:s16+$0x810 ss:$0x81] =	vst.msk $0xffff, v2;
	s31 =	sand.u32 $0x7, s14;
	s17 =	sor.u32 s18, s17;
	s18 =	sadd.s32 s7, s30  }
0x10: {  	[tilespmem:s16+$0x1020 ss:$0x81] =	vst.msk $0xffff, v0;
	s14 =	sshll.u32 s31, $0x12;
	s13 =	sadd.s32 s13, s18;
	s17 =	sshrl.u32 s17, $0x3  }
0x11: {  	[tilespmem:s16+$0x0 ss:$0x81] =	vst.msk $0xffff, v1;
	s14 =	sor.u32 $0x400, s14;
	s13 =	sadd.s32 s17, s13  }
0x12: {  	[hbm4b:s13+s14] =	stream.strided.scatter [tilespmem:s15], [sflag:$0x2], $0x2000, s9, s14, $0x20;
	[tilespmem:$0x8080] =	vst v63  }
.LBB1_5:
0x13: {  	s15 =	sadd.s32 $0x2, s10  }
0x14: {  	s13 =	sadd.s32 $0x800, s11;
	s17 =	smov.u32 s11;
	p2 =	sgt.s32 s15, $0xC7  }
0x15: {  	s17 =	smov.u32 @p2 s13  }
0x16: {  	s15 =	smov.u32 @p2 s3;
	p2 =	sgt.s32 s17, $0x7FF  }
0x17: {  	s17 =	smov.u32 @p2 s2;
	p2 =	sne.s32 s12, s8  }
.Ltmp1:
0x18: {  	p1 =	slt.u32 s12, $0x2;
	(pc) =	sbr.rel @!p2 .LBB1_6-.Ltmp1, $4  }
0x19: {  	s16 =	simm.s32 @!p1 $0x2  }
0x1a: {  	s14 =	smov.u32 s11;
	p0 =	por !p0, !p0;
	_ =	swait.ge @!p1 [sflag:s16], $0x2000  }
0x1b: {  	s13 =	smov.u32 s10;
	[sflag:s16] =	ssyncset.done @!p1 $0x0;
	s10 =	smov.u32 s15  }
0x1c: {  	s12 =	sadd.s32 $0x1, s12;
	[sflag:s16] =	ssyncadd.s32 @!p1 $0xFFFFE000;
	s11 =	smov.u32 s17  }
.LBB1_1:
0x1d: {  	p1 =	sge.u32 s12, s5  }
0x1e: {  	s15 =	sand.u32 @!p1 $0x1FFFFFF, s10  }
0x1f: {  	s16 =	smulhi.u32 @!p1 $0x147AE15, s15;
	_ =	sdelay $0x1  }
0x20: {  	s16 =	smul.u32 @!p1 $0xC8, s16  }
0x21: {  	s17 =	sxor.u32 @!p1 $0xFFFFFFFF, s12;
	s18 =	smul.u32 @!p1 $0xC80, s11  }
0x22: {  	s31 =	sadd.s32 $0xFFFFFFFF, s12;
	s17 =	sshll.u32 @!p1 s17, $0xD;
	s15 =	ssub.s32 @!p1 s15, s16  }
0x23: {  	s16 =	sand.u32 @!p1 $0x2000, s17;
	s17 =	sadd.s32 @!p1 s6, s18;
	s15 =	sshll.u32 @!p1 s15, $0x4  }
0x24: {  	s18 =	simm.s32 @!p1 $0x6400;
	s15 =	sadd.s32 @!p1 s15, s17;
	s17 =	simm.s32 @!p1 $0x40  }
0x25: {  	[tilespmem:s16], [sflag:$0x1] =	stream.strided.gather @!p1 [hbm4b:s15+s17], $0x2000, s18, s17, $0x38;
	[tilespmem:$0x8080] =	vst v63  }
0x26: {  	p1 =	sge.u32 s31, s5  }
.Ltmp2:
0x27: {  	_ = 	snop;
	(pc) =	sbr.rel @p1 .LBB1_5-.Ltmp2, $1  }
0x28: {  	_ =	sdelay $0x3  }
0x29: {  	s15 =	simm.s32 $0x1  }
0x2a: {  	_ =	swait.ge [sflag:s4], $0x2000;
	s15 =	simm.s32 @!p0 $0x0  }
0x2b: {  	[sflag:s4] =	ssyncset.done $0x0;
	s16 =	sshll.u32 s15, $0xD  }
0x2c: {  	[sflag:s4] =	ssyncadd.s32 $0xFFFFE000;
	s19 =	sor.u32 $0x20, s16  }
0x2d: {  	s15 =	smul.u32 $0x8100, s15;
	v3 =	vld [tilespmem:s19+$0x10]  }
0x2e: {  	s30 =	sand.u32 $0x1, s12;
	v2 =	vld [tilespmem:s19+$0xFFFFFFF0]  }
0x2f: {  	s16 =	smul.u32 $0x8100, s30;
	s15 =	sshrl.u32 s15, $0x2;
	v0 =	vld [tilespmem:s19+$0x0]  }
0x30: {  	v1 =	vld [tilespmem:s19+$0xFFFFFFE0];
	s17 =	sor.u32 $0x4000, s15  }
0x31: {  	s31 =	sshrl.u32 s16, $0x2;
	s16 =	sadd.s32 $0x0, s17  }
0x32: {  	s18 =	simm.s32 $0x4;
	s19 =	sadd.s32 $0x40, s19;
	s15 =	sor.u32 $0x4000, s31;
	[tilespmem:s16+$0x1830 ss:$0x81] =	vst.msk $0xffff, v3  }
.LBB1_3:
0x33: {  	v3 =	vld [tilespmem:s19+$0x10];
	p1 =	sne.s32 s18, $0x1FC;
	[tilespmem:s16+$0x810 ss:$0x81] =	vst.msk $0xffff, v2;
	s20 =	smov.u32 s18;
	s18 =	sadd.s32 $0x4, s18  }
.Ltmp3:
0x34: {  	v2 =	vld [tilespmem:s19+$0xFFFFFFF0];
	[tilespmem:s16+$0x1020 ss:$0x81] =	vst.msk $0xffff, v0;
	(pc) =	sbr.rel @p1 .LBB1_3-.Ltmp3, $4  }
0x35: {  	v0 =	vld [tilespmem:s19+$0x0];
	[tilespmem:s16+$0x0 ss:$0x81] =	vst.msk $0xffff, v1  }
0x36: {  	s16 =	sshra.s32 s20, $0x2;
	v1 =	vld [tilespmem:s19+$0xFFFFFFE0]  }
0x37: {  	s16 =	sadd.s32 s16, s17  }
0x38: {  	s19 =	sadd.s32 $0x40, s19;
	[tilespmem:s16+$0x1830 ss:$0x81] =	vst.msk $0xffff, v3  }
.Ltmp4:
0x39: {  	_ = 	snop;
	(pc) =	sbr.rel .LBB1_4-.Ltmp4, $1  }
0x3a: {  	_ =	sdelay $0x3  }
.LBB1_6:
0x3b: {  	_ =	sfence.sel $0x180000  }
0x3c: {  	s2 =	simm.s32 $0x1;
	[bflag:$0x0] =	sbarrier.arrive $0xFFFF  }
0x3d: {  	s31 =	simm.s32 $0x2;
	[sflag:s2] =	ssyncpa.u1 $0x1  }
0x3e: {  	[sflag:s31] =	ssyncpa.u1 $0x1  }
0x3f: {  	p0 =	sne.s32 s0, $0x0;
	_ =	strace $0x9000004A  }
0x40: {  	s0 =	sadd.s32 @!p0 $0x100000, s1;
	[bflag:$0x2] =	sbarrier.arrive $0xFFFF  }
0x41: {  	[sflag:s0] =	ssyncadd.tile.s32 @!p0 $0x1;
	_ =	shalt  }
.Lfunc_end1:
_tile_overlayer_lowered:
.L_overlay_start_2:
0x42: {  	(tag) =	ssettag $0x2  }
0x43: {  	s0 =	rddreg [dreg:$0x0];
	s2 =	stileid.u32  }
0x44: {  	s1 =	rddreg [dreg:$0x1];
	p0 =	sne.s32 s2, $0x0  }
0x45: {  	s3 =	rddreg [dreg:$0x2];
	[bflag:$0x3] =	sbarrier.arrive $0xFFFF;
	s2 =	simm.s32 @!p0 $0x1C01  }
0x46: {  	[timem:s3], [sflag:s2] =	dma.local @!p0 [hbm:s0], s1  }
0x47: {  	s0 =	simm.s32 @!p0 $0x1  }
0x48: {  	_ =	swait.ge @!p0 [sflag:s0], s1  }
0x49: {  	s1 =	ssub.s32 @!p0 $0x0, s1;
	[sflag:s0] =	ssyncset.done @!p0 $0x0  }
0x4a: {  	[sflag:s0] =	ssyncadd.s32 @!p0 s1  }
0x4b: {  	[bflag:$0x3] =	sbarrier.arrive $0xFFFF  }
0x4c: {  	_ =	shalt  }

// kernel: sparse-core-data-format-call.cloned.1.call-start
scs
called_computation_lowered:
.L_overlay_start_0:
0x0: {  	s2 =	sld [smem:$0x3FD9]  }
0x1: {  	s3 =	sld [smem:$0x3FFE];
	_ =	sdelay $0x1  }
0x2: {  	s1 =	srdreg.scid  }
0x3: {  	s0 =	sand.u32 $0x1, s1  }
0x4: {  	s18 =	sshll.u32 s0, $0xA;
	s2 =	sadd.s32 s3, s2  }
0x5: {  	s2 =	sadd.s32 s2, s18  }
0x6: {  	[smem:$0x3FC5] =	sst s2  }
0x7: {  	_ = 	snop  }
0x8: {  	s19 =	sld [smem:$0x3FD0];
	(tm) =	ssettm $0x1  }
0x9: {  	s20 =	sld [smem:$0x3FFB];
	_ =	sdelay $0x3  }
0xa: {  	_ =	strace s20  }
0xb: {  	s2 =	sld [smem:$0x3FFC];
	_ =	sdelay $0x3  }
0xc: {  	_ =	strace s2  }
0xd: {  	s2 =	sld [smem:$0x3FFD];
	_ =	sdelay $0x3  }
0xe: {  	_ =	strace s2  }
0xf: {  	_ =	strace $0x8FFFFFFF  }
0x10: {  	s21 =	sld [smem:$0x3FDB];
	_ =	sdelay $0x1  }
0x11: {  	s4 =	simm.s32 $_scs_section_size  }
0x12: {  	s5 =	simm.s32 $_size__tile_overlayer_lowered;
	s6 =	simm.s32 $_tile_overlayer_lowered  }
0x13: {  	s7 =	simm.s32 $0x1BFF;
	s22 =	sshll.u32 s6, $0x1;
	s4 =	sadd.s32 s4, s21  }
0x14: {  	s23 =	simm.s32 $0x0;
	s5 =	sshll.u32 s5, $0x1;
	s6 =	sadd.s32 s22, s4  }
0x15: {  	[timem:s23], [sflag:s7] =	dma.local [hbm:s6], s5  }
0x16: {  	_ =	swait.ge [sflag:s7], s5  }
0x17: {  	s5 =	ssub.s32 $0x0, s5;
	[sflag:s7] =	ssyncset.done $0x0  }
0x18: {  	[sflag:s7] =	ssyncadd.s32 s5;
	_ =	sdelay $0x1  }
0x19: {  	s24 =	simm.s32 $0x1B8B  }
0x1a: {  	_ =	swait.ge [sflag:s24], $0x1  }
0x1b: {  	[sflag:s24] =	ssyncset.done $0x0  }
0x1c: {  	[sflag:s24] =	ssyncadd.s32 $0xFFFFFFFF  }
0x1d: {  	s5 =	sld [smem:$0x0]  }
0x1e: {  	s6 =	sand.u32 $0xFFFFFFFE, s1  }
0x1f: {  	p0 =	sne.s32 s1, s6  }
0x20: {  	s6 =	sshll.u32 @p0 s6, $0xE  }
0x21: {  	s6 =	sadd.s32 @p0 $0x11B8D, s6;
	s7 =	sshll.u32 @p0 s5, $0x11  }
0x22: {  	s6 =	sor.u32 @p0 s7, s6  }
0x23: {  	[sflag:s6] =	ssyncadd.remote.s32 @p0 $0x1;
	_ =	sdelay $0x1  }
0x24: {  	s6 =	simm.s32 @p0 $0x1B8D  }
0x25: {  	_ =	swait.eq @p0 [sflag:s6], $0x1  }
0x26: {  	[sflag:s6] =	ssyncadd.s32 @p0 $0xFFFFFFFF  }
0x27: {  	s7 =	sshll.u32 @!p0 s1, $0xE  }
0x28: {  	s7 =	sor.u32 @!p0 $0x4000, s7;
	s6 =	simm.s32 @!p0 $0x1B8D  }
0x29: {  	s5 =	sshll.u32 @!p0 s5, $0x11;
	s7 =	sadd.s32 @!p0 $0x11B8D, s7;
	_ =	swait.eq @!p0 [sflag:s6], $0x1  }
0x2a: {  	s5 =	sor.u32 @!p0 s5, s7;
	[sflag:s6] =	ssyncadd.s32 @!p0 $0xFFFFFFFF  }
0x2b: {  	s26 =	simm.s32 $0x1B8E;
	s25 =	sld [smem:$0x3FFE];
	[sflag:s5] =	ssyncadd.remote.s32 @!p0 $0x1  }
0x2c: {  	s27 =	simm.s32 $execute0_lowered;
	[smem:$0x3FD2] =	sst s26  }
0x2d: {  	s6 =	sshll.u32 s27, $0x1;
	_ =	strace $0x8000004C;
	[dreg:$0x1] =	wrdreg $0xFFFFFFFF  }
0x2e: {  	s28 =	simm.s32 $_size_execute0_lowered;
	s4 =	sadd.s32 s4, s6;
	[dreg:$0x0] =	wrdreg $0x0  }
0x2f: {  	s6 =	sshll.u32 s28, $0x1;
	[dreg:$0x2] =	wrdreg s4  }
0x30: {  	[dreg:$0x3] =	wrdreg s6  }
0x31: {  	[dreg:$0x4] =	wrdreg $0xC0  }
0x32: {  	_ =	task [dreg:s23], $0x5FFFF  }
0x33: {  	[dreg:$0x1] =	wrdreg $0xFFFFFFFF  }
0x34: {  	[dreg:$0x0] =	wrdreg $0x60  }
0x35: {  	[dreg:$0x2] =	wrdreg s19  }
0x36: {  	[dreg:$0x3] =	wrdreg s25  }
0x37: {  	[dreg:$0x4] =	wrdreg $0x9  }
0x38: {  	_ =	task.clear_ibuf [dreg:s23], $0x5FFFF;
	_ =	strace $0x9000004C  }
0x39: {  	s29 =	simm.s32 $0x9;
	_ =	strace $0x8000004E  }
0x3a: {  	_ =	swait.ge [sflag:s29], $0x1  }
0x3b: {  	[sflag:s29] =	ssyncadd.s32 $0xFFFFFFFF  }
0x3c: {  	_ =	strace $0x9000004E  }
0x3d: {  	_ =	sfence  }
0x3e: {  	s30 =	sld [smem:$0x0];
	_ =	sdelay $0x2  }
0x3f: {  	s31 =	sshll.u32 s1, $0xD;
	s1 =	sshrl.u32 s1, $0x2  }
0x40: {  	s4 =	sand.u32 $0x4000, s31;
	s1 =	sadd.s32 s1, s30  }
0x41: {  	s0 =	sor.u32 s4, s0;
	s1 =	sshll.u32 s1, $0x11  }
0x42: {  	s0 =	sor.u32 s1, s0  }
0x43: {  	s0 =	sadd.s32 $0x8F2B, s0  }
0x44: {  	[sflag:s0] =	ssyncadd.remote.s32 $0x1  }
0x45: {  	_ =	sfence.sel $0xFFFF  }
0x46: {  	[dreg:$0x0] =	wrdreg $0xFFFFFFFF;
	(pc) =	sbr.abs _section_cstart, $3  }
0x47: {  	[dreg:$0x1] =	wrdreg $0xFFFFFFFF  }
0x48: {  	_ =	task.clear_ibuf [dreg:s23], $0x2FFFF;
	_ =	strace $0x9FFFFFFF  }
0x49: {  	(tm) =	ssettm $0x7FFFFFFF  }
tec
execute0_lowered:
.L_overlay_start_1:
0x0: {  	(tag) =	ssettag $0x1  }
0x1: {  	s2 =	rddreg [dreg:$0x0]  }
0x2: {  	s0 =	stileid.u32;
	s7 =	rddreg [dreg:$0x1]  }
0x3: {  	s1 =	rddreg [dreg:$0x2];
	s4 =	srdreg.scid;
	_ =	strace $0x8000004D  }
0x4: {  	s31 =	simm.s32 $0x2;
	s13 =	simm.s32 $0x0;
	s3 =	sshll.u32 s0, $0x7  }
0x5: {  	s14 =	simm.s32 $0x0;
	s4 =	sand.u32 $0x1, s4;
	s5 =	ssub.s32 $0x800, s3  }
0x6: {  	s12 =	simm.s32 $0x0;
	s8 =	ssub.s32 $0xC8, s4;
	s6 =	sand.u32 $0x780, s5  }
0x7: {  	s9 =	sshrl.u32 s5, $0xB;
	p0 =	sne.s32 s6, $0x0;
	s6 =	simm.s32 $0x1  }
.Ltmp0:
0x8: {  	s10 =	sshrl.u32 s8, $0x1;
	s6 =	simm.s32 @!p0 $0x0;
	(pc) =	sbr.rel .LBB1_1-.Ltmp0, $4  }
0x9: {  	s5 =	simm.s32 $0x1;
	s8 =	ssub.s32 s8, s10;
	s6 =	sadd.s32 s6, s9  }
0xa: {  	s7 =	sadd.s32 $0x320E00, s7;
	[sflag:s5] =	ssyncpa.u1 $0x0;
	s6 =	smul.u32 s8, s6  }
0xb: {  	s11 =	smov.u32 s3;
	s10 =	smov.u32 s4;
	[sflag:s31] =	ssyncpa.u1 $0x0  }
0xc: {  	p0 =	por $0x0, $0x0;
	s9 =	simm.s32 $0x4000;
	s8 =	sadd.s32 $0x1, s6  }
.LBB1_4:
0xd: {  	s17 =	sshll.u32 s14, $0x3;
	s18 =	sand.u32 $0x78, s14  }
0xe: {  	s30 =	sand.u32 $0x3F00, s14;
	s13 =	sshll.u32 s13, $0xE;
	s17 =	sand.u32 $0x400, s17  }
0xf: {  	[tilespmem:s16+$0x810 ss:$0x81] =	vst.msk $0xffff, v2;
	s31 =	sand.u32 $0x7, s14;
	s17 =	sor.u32 s18, s17;
	s18 =	sadd.s32 s7, s30  }
0x10: {  	[tilespmem:s16+$0x1020 ss:$0x81] =	vst.msk $0xffff, v0;
	s14 =	sshll.u32 s31, $0x12;
	s13 =	sadd.s32 s13, s18;
	s17 =	sshrl.u32 s17, $0x3  }
0x11: {  	[tilespmem:s16+$0x0 ss:$0x81] =	vst.msk $0xffff, v1;
	s14 =	sor.u32 $0x400, s14;
	s13 =	sadd.s32 s17, s13  }
0x12: {  	[hbm4b:s13+s14] =	stream.strided.scatter [tilespmem:s15], [sflag:$0x2], $0x2000, s9, s14, $0x20;
	[tilespmem:$0x8080] =	vst v63  }
.LBB1_5:
0x13: {  	s15 =	sadd.s32 $0x2, s10  }
0x14: {  	s13 =	sadd.s32 $0x800, s11;
	s17 =	smov.u32 s11;
	p2 =	sgt.s32 s15, $0xC7  }
0x15: {  	s17 =	smov.u32 @p2 s13  }
0x16: {  	s15 =	smov.u32 @p2 s4;
	p2 =	sgt.s32 s17, $0x7FF  }
0x17: {  	s17 =	smov.u32 @p2 s3;
	p2 =	sne.s32 s12, s8  }
.Ltmp1:
0x18: {  	p1 =	slt.u32 s12, $0x2;
	(pc) =	sbr.rel @!p2 .LBB1_6-.Ltmp1, $4  }
0x19: {  	s16 =	simm.s32 @!p1 $0x2  }
0x1a: {  	s14 =	smov.u32 s11;
	p0 =	por !p0, !p0;
	_ =	swait.ge @!p1 [sflag:s16], $0x2000  }
0x1b: {  	s13 =	smov.u32 s10;
	[sflag:s16] =	ssyncset.done @!p1 $0x0;
	s10 =	smov.u32 s15  }
0x1c: {  	s12 =	sadd.s32 $0x1, s12;
	[sflag:s16] =	ssyncadd.s32 @!p1 $0xFFFFE000;
	s11 =	smov.u32 s17  }
.LBB1_1:
0x1d: {  	p1 =	sge.u32 s12, s6  }
0x1e: {  	s15 =	sand.u32 @!p1 $0x1FFFFFF, s10  }
0x1f: {  	s16 =	smulhi.u32 @!p1 $0x147AE15, s15;
	_ =	sdelay $0x1  }
0x20: {  	s16 =	smul.u32 @!p1 $0xC8, s16  }
0x21: {  	s17 =	sxor.u32 @!p1 $0xFFFFFFFF, s12;
	s18 =	smul.u32 @!p1 $0xC80, s11  }
0x22: {  	s31 =	sadd.s32 $0xFFFFFFFF, s12;
	s17 =	sshll.u32 @!p1 s17, $0xD;
	s15 =	ssub.s32 @!p1 s15, s16  }
0x23: {  	s16 =	sand.u32 @!p1 $0x2000, s17;
	s17 =	sadd.s32 @!p1 s2, s18;
	s15 =	sshll.u32 @!p1 s15, $0x4  }
0x24: {  	s18 =	simm.s32 @!p1 $0x6400;
	s15 =	sadd.s32 @!p1 s15, s17;
	s17 =	simm.s32 @!p1 $0x40  }
0x25: {  	[tilespmem:s16], [sflag:$0x1] =	stream.strided.gather @!p1 [hbm4b:s15+s17], $0x2000, s18, s17, $0x38;
	[tilespmem:$0x8080] =	vst v63  }
0x26: {  	p1 =	sge.u32 s31, s6  }
.Ltmp2:
0x27: {  	_ = 	snop;
	(pc) =	sbr.rel @p1 .LBB1_5-.Ltmp2, $1  }
0x28: {  	_ =	sdelay $0x3  }
0x29: {  	s15 =	simm.s32 $0x1  }
0x2a: {  	_ =	swait.ge [sflag:s5], $0x2000;
	s15 =	simm.s32 @!p0 $0x0  }
0x2b: {  	[sflag:s5] =	ssyncset.done $0x0;
	s16 =	sshll.u32 s15, $0xD  }
0x2c: {  	[sflag:s5] =	ssyncadd.s32 $0xFFFFE000;
	s19 =	sor.u32 $0x20, s16  }
0x2d: {  	s15 =	smul.u32 $0x8100, s15;
	v3 =	vld [tilespmem:s19+$0x10]  }
0x2e: {  	s30 =	sand.u32 $0x1, s12;
	v2 =	vld [tilespmem:s19+$0xFFFFFFF0]  }
0x2f: {  	s16 =	smul.u32 $0x8100, s30;
	s15 =	sshrl.u32 s15, $0x2;
	v0 =	vld [tilespmem:s19+$0x0]  }
0x30: {  	v1 =	vld [tilespmem:s19+$0xFFFFFFE0];
	s17 =	sor.u32 $0x4000, s15  }
0x31: {  	s31 =	sshrl.u32 s16, $0x2;
	s16 =	sadd.s32 $0x0, s17  }
0x32: {  	s18 =	simm.s32 $0x4;
	s19 =	sadd.s32 $0x40, s19;
	s15 =	sor.u32 $0x4000, s31;
	[tilespmem:s16+$0x1830 ss:$0x81] =	vst.msk $0xffff, v3  }
.LBB1_3:
0x33: {  	v3 =	vld [tilespmem:s19+$0x10];
	p1 =	sne.s32 s18, $0x1FC;
	[tilespmem:s16+$0x810 ss:$0x81] =	vst.msk $0xffff, v2;
	s20 =	smov.u32 s18;
	s18 =	sadd.s32 $0x4, s18  }
.Ltmp3:
0x34: {  	v2 =	vld [tilespmem:s19+$0xFFFFFFF0];
	[tilespmem:s16+$0x1020 ss:$0x81] =	vst.msk $0xffff, v0;
	(pc) =	sbr.rel @p1 .LBB1_3-.Ltmp3, $4  }
0x35: {  	v0 =	vld [tilespmem:s19+$0x0];
	[tilespmem:s16+$0x0 ss:$0x81] =	vst.msk $0xffff, v1  }
0x36: {  	s16 =	sshra.s32 s20, $0x2;
	v1 =	vld [tilespmem:s19+$0xFFFFFFE0]  }
0x37: {  	s16 =	sadd.s32 s16, s17  }
0x38: {  	s19 =	sadd.s32 $0x40, s19;
	[tilespmem:s16+$0x1830 ss:$0x81] =	vst.msk $0xffff, v3  }
.Ltmp4:
0x39: {  	_ = 	snop;
	(pc) =	sbr.rel .LBB1_4-.Ltmp4, $1  }
0x3a: {  	_ =	sdelay $0x3  }
.LBB1_6:
0x3b: {  	_ =	sfence.sel $0x180000  }
0x3c: {  	s2 =	simm.s32 $0x1;
	[bflag:$0x0] =	sbarrier.arrive $0xFFFF  }
0x3d: {  	s31 =	simm.s32 $0x2;
	[sflag:s2] =	ssyncpa.u1 $0x1  }
0x3e: {  	[sflag:s31] =	ssyncpa.u1 $0x1  }
0x3f: {  	p0 =	sne.s32 s0, $0x0;
	_ =	strace $0x9000004D  }
0x40: {  	s0 =	sadd.s32 @!p0 $0x100000, s1;
	[bflag:$0x2] =	sbarrier.arrive $0xFFFF  }
0x41: {  	[sflag:s0] =	ssyncadd.tile.s32 @!p0 $0x1;
	_ =	shalt  }
.Lfunc_end1:
_tile_overlayer_lowered:
.L_overlay_start_2:
0x42: {  	(tag) =	ssettag $0x2  }
0x43: {  	s0 =	rddreg [dreg:$0x0];
	s2 =	stileid.u32  }
0x44: {  	s1 =	rddreg [dreg:$0x1];
	p0 =	sne.s32 s2, $0x0  }
0x45: {  	s3 =	rddreg [dreg:$0x2];
	[bflag:$0x3] =	sbarrier.arrive $0xFFFF;
	s2 =	simm.s32 @!p0 $0x1C01  }
0x46: {  	[timem:s3], [sflag:s2] =	dma.local @!p0 [hbm:s0], s1  }
0x47: {  	s0 =	simm.s32 @!p0 $0x1  }
0x48: {  	_ =	swait.ge @!p0 [sflag:s0], s1  }
0x49: {  	s1 =	ssub.s32 @!p0 $0x0, s1;
	[sflag:s0] =	ssyncset.done @!p0 $0x0  }
0x4a: {  	[sflag:s0] =	ssyncadd.s32 @!p0 s1  }
0x4b: {  	[bflag:$0x3] =	sbarrier.arrive $0xFFFF  }
0x4c: {  	_ =	shalt  }

</sc_bundles>
